<compile_context>
chip_gen: v7x
topology: tpu7x:2x2x1
jax: 0.10.2.dev20260603
libtpu: 0.0.44.dev20260713+nightly
codegen_flags: <defaults>
</compile_context>

<pallas_src>
import functools

import jax
import jax.numpy as jnp
from jax import lax
from jax.experimental import pallas as pl
from jax.experimental.pallas import tpu as pltpu
from jax.experimental.pallas import tpu_sc as plsc

_N_FIELDS = 26
_VOCAB = 100000
_EMBED = 32
_BATCH = 4096
_FLAT = _BATCH * _N_FIELDS
_CHUNK = 128


def _sc_gather(feat_flat, tables_flat):
    info = plsc.get_sparse_core_info()
    nc, ns = info.num_cores, info.num_subcores
    nw = nc * ns
    per_tile = _FLAT // nw
    chunks = per_tile // _CHUNK
    nvecs = per_tile // 16

    mesh = plsc.VectorSubcoreMesh(core_axis_name="c", subcore_axis_name="s")

    @functools.partial(
        pl.kernel,
        mesh=mesh,
        out_type=jax.ShapeDtypeStruct((_FLAT, _EMBED), jnp.float32),
        scratch_types=[
            pltpu.VMEM((per_tile,), jnp.int32),
            pltpu.VMEM((per_tile, _EMBED), jnp.float32),
            pltpu.SemaphoreType.DMA,
        ],
        compiler_params=pltpu.CompilerParams(use_tc_tiling_on_sc=False),
    )
    def gather_kernel(feat_hbm, tbl_hbm, out_hbm, idx_v, rows_v, sem):
        wid = lax.axis_index("s") * nc + lax.axis_index("c")
        base = wid * per_tile
        pltpu.sync_copy(feat_hbm.at[pl.ds(base, per_tile)], idx_v)

        def vec_body(t, _):
            v = idx_v[pl.ds(t * 16, 16)]
            v = jnp.clip(v, 0, _VOCAB - 1)
            pos = t * 16 + lax.iota(jnp.int32, 16)
            idx_v[pl.ds(t * 16, 16)] = v + (pos % _N_FIELDS) * _VOCAB
            return 0

        lax.fori_loop(0, nvecs, vec_body, 0)

        copies = [
            pltpu.async_copy(
                tbl_hbm.at[idx_v.at[pl.ds(j * _CHUNK, _CHUNK)]],
                rows_v.at[pl.ds(j * _CHUNK, _CHUNK)],
                sem,
            )
            for j in range(chunks)
        ]
        for c in copies:
            c.wait()

        pltpu.sync_copy(rows_v, out_hbm.at[pl.ds(base, per_tile)])

    return gather_kernel(feat_flat, tables_flat)


def _tc_mlp(x, gamma, beta, w1, b1, w2, b2, w3, b3):

    def body(x_ref, g_ref, be_ref, w1_ref, b1_ref, w2_ref, b2_ref, w3_ref,
             b3_ref, o_ref):
        xv = x_ref[...]
        inv_n = 1.0 / xv.shape[0]
        mean = jnp.sum(xv, axis=0, keepdims=True) * inv_n
        ex2 = jnp.sum(xv * xv, axis=0, keepdims=True) * inv_n
        var = ex2 - mean * mean
        scale = g_ref[...] * lax.rsqrt(var + 1e-5)
        shift = be_ref[...] - mean * scale
        xn = xv * scale + shift
        h = lax.dot_general(xn, w1_ref[...], (((1,), (1,)), ((), ())),
                            preferred_element_type=jnp.float32)
        h = jnp.maximum(h + b1_ref[...], 0.0)
        h = lax.dot_general(h, w2_ref[...], (((1,), (1,)), ((), ())),
                            preferred_element_type=jnp.float32)
        h = jnp.maximum(h + b2_ref[...], 0.0)
        logits = lax.dot_general(h, w3_ref[...], (((1,), (1,)), ((), ())),
                                 preferred_element_type=jnp.float32)
        o_ref[...] = jax.nn.sigmoid(logits + b3_ref[0])

    n_in = 9
    w3_pad = jnp.zeros((8, w3.shape[1]), w3.dtype).at[0].set(w3[0])
    out = pl.pallas_call(
        body,
        out_shape=jax.ShapeDtypeStruct((_BATCH, 8), jnp.float32),
        in_specs=[
            pl.BlockSpec(memory_space=pltpu.SMEM) if i == n_in - 1
            else pl.BlockSpec(memory_space=pltpu.VMEM)
            for i in range(n_in)
        ],
    )(x, gamma.reshape(1, -1), beta.reshape(1, -1), w1, b1.reshape(1, -1),
      w2, b2.reshape(1, -1), w3_pad, b3)
    return out[:, 0]


def kernel(features, tables, gamma, beta, w1, b1, w2, b2, w3, b3):
    feat_flat = features.reshape(_FLAT)
    tables_flat = tables.reshape(_N_FIELDS * _VOCAB, _EMBED)
    rows = _sc_gather(feat_flat, tables_flat)
    x = rows.reshape(_BATCH, _N_FIELDS * _EMBED)
    out = _tc_mlp(x, gamma, beta, w1, b1, w2, b2, w3, b3)
    return out.reshape(_BATCH)

# --- scband reference (transcript-rebuilt; emitter-appended) ---
"""Pipeline reference for scband-hybrid-ssl-11390253269184 (READ-ONLY COPY).

The authoritative reference and input builder live on the scoring server;
editing this copy changes nothing except your own understanding.
"""

import jax, jax.numpy as jnp
import numpy as np

N_FIELDS = 26
VOCAB = 100000
EMBED = 32
HID = 256
BATCH = 4096
IN_DIM = N_FIELDS * EMBED

def setup_inputs(seed: int = 0) -> dict:
    key = jax.random.key(seed)
    ks = jax.random.split(key, 10)
    features = jax.random.randint(ks[0], (BATCH, N_FIELDS), 0, VOCAB, dtype=jnp.int32)
    tables = jax.random.normal(ks[1], (N_FIELDS, VOCAB, EMBED), dtype=jnp.float32) * float(np.sqrt(6.0 / (VOCAB + EMBED)))
    gamma = jnp.ones((IN_DIM,), dtype=jnp.float32)
    beta = jnp.zeros((IN_DIM,), dtype=jnp.float32)
    w1 = jax.random.normal(ks[2], (HID, IN_DIM), dtype=jnp.float32) * float(np.sqrt(2.0 / (IN_DIM + HID)))
    b1 = jnp.zeros((HID,), dtype=jnp.float32)
    w2 = jax.random.normal(ks[3], (HID // 2, HID), dtype=jnp.float32) * float(np.sqrt(2.0 / (HID + HID // 2)))
    b2 = jnp.zeros((HID // 2,), dtype=jnp.float32)
    w3 = jax.random.normal(ks[4], (1, HID // 2), dtype=jnp.float32) * float(np.sqrt(2.0 / (HID // 2 + 1)))
    b3 = jnp.zeros((1,), dtype=jnp.float32)
    return {"features": features, "tables": tables, "gamma": gamma, "beta": beta,
            "w1": w1, "b1": b1, "w2": w2, "b2": b2, "w3": w3, "b3": b3}

def reference(features, tables, gamma, beta, w1, b1, w2, b2, w3, b3):
    # per-field embedding lookup with clamp (matches emb(feat_vals.clamp(0, V-1)))
    idx = jnp.clip(features, 0, VOCAB - 1)
    field_ids = jnp.arange(N_FIELDS)[None, :]
    embs = tables[field_ids, idx]  # [B, F, D] gather
    x = embs.reshape(embs.shape[0], -1)  # concat -> [B, F*D]
    # BatchNorm1d (train-mode batch statistics, biased variance, eps=1e-5)
    mean = jnp.mean(x, axis=0)
    var = jnp.var(x, axis=0)
    x = (x - mean) / jnp.sqrt(var + 1e-5) * gamma + beta
    # MLP (dropout is identity in deterministic/eval reference)
    h = jax.nn.relu(x @ w1.T + b1)
    h = jax.nn.relu(h @ w2.T + b2)
    logits = (h @ w3.T + b3).squeeze(-1)
    return jax.nn.sigmoid(logits)

if __name__ == "__main__":
    import jax
    _d = setup_inputs()
    print(jax.jit(kernel)(*tuple(_d.values())))

</pallas_src>

<mosaic_0001>
#map = affine_map<(d0, d1) -> (0)>
#map1 = affine_map<(d0, d1) -> (0, 0)>
module attributes {stable_mosaic.version = 14 : i64} {
  func.func @gather_kernel(%arg0: i32, %arg1: i32, %arg2: memref<106496xi32, #tpu.memory_space<hbm>>, %arg3: memref<2600000x32xf32, #tpu.memory_space<hbm>>, %arg4: memref<106496x32xf32, #tpu.memory_space<hbm>>, %arg5: memref<3328xi32, #tpu.memory_space<vmem>>, %arg6: memref<3328x32xf32, #tpu.memory_space<vmem>>, %arg7: memref<!tpu.dma_semaphore, #tpu.memory_space<semaphore_mem>>) attributes {dimension_semantics = [#tpu.dimension_semantics<core_parallel>, #tpu.dimension_semantics<subcore_parallel>], iteration_bounds = array<i64: 2, 16>, scalar_prefetch = 0 : i64, scratch_operands = 3 : i64, tpu.core_type = #tpu.core_type<sc_vector_subcore>, window_params = [{transform_indices = #map}, {transform_indices = #map1}, {transform_indices = #map1}]} {
    %mul3A = arith.constant 2 : i32
    %mul3A_0 = arith.muli %arg1, %mul3A : i32
    %add3A = arith.addi %mul3A_0, %arg0 : i32
    %mul3A_1 = arith.constant 3328 : i32
    %mul3A_2 = arith.muli %add3A, %mul3A_1 : i32
    "tpu.region"() ({
      %run_scoped3A = tpu.sem_alloc : memref<!tpu.dma_semaphore, #tpu.memory_space<semaphore_mem>>
      %dma_start3A_423 = tpu.memref_slice %arg2[%mul3A_2] : memref<106496xi32, #tpu.memory_space<hbm>> -> memref<3328xi32, #tpu.memory_space<hbm>>
      %dma_start3A_424 = tpu.memref_slice %arg2[%mul3A_2] : memref<106496xi32, #tpu.memory_space<hbm>> -> memref<3328xi32, #tpu.memory_space<hbm>>
      tpu.enqueue_dma source(%dma_start3A_424 : memref<3328xi32, #tpu.memory_space<hbm>>) target(%arg5 : memref<3328xi32, #tpu.memory_space<vmem>>) target_semaphore(%run_scoped3A : memref<!tpu.dma_semaphore, #tpu.memory_space<semaphore_mem>>)
      %dma_wait3A_425 = tpu.memref_slice %arg2[%mul3A_2] : memref<106496xi32, #tpu.memory_space<hbm>> -> memref<3328xi32, #tpu.memory_space<hbm>>
      %dma_wait3A_426 = tpu.memref_slice %arg2[%mul3A_2] : memref<106496xi32, #tpu.memory_space<hbm>> -> memref<3328xi32, #tpu.memory_space<hbm>>
      tpu.wait_dma2 semaphore(%run_scoped3A : memref<!tpu.dma_semaphore, #tpu.memory_space<semaphore_mem>>) src(%dma_wait3A_426 : memref<3328xi32, #tpu.memory_space<hbm>>) dst(%arg5 : memref<3328xi32, #tpu.memory_space<vmem>>)
      tpu.yield
    }) : () -> ()
    %scan3A = arith.constant 0 : i32
    %scan3A_3 = arith.constant 0 : i32
    %scan3A_4 = arith.constant 208 : i32
    %scan3A_5 = arith.addi %scan3A_3, %scan3A_4 : i32
    %scan3A_6 = arith.constant 1 : i32
    %scan3A_7 = scf.for %scan3A_423 = %scan3A_3 to %scan3A_5 step %scan3A_6 iter_args(%scan3A_424 = %scan3A) -> (i32)  : i32 {
      %mul3A_425 = arith.constant 16 : i32
      %mul3A_426 = arith.muli %scan3A_423, %mul3A_425 : i32
      %get3A = arith.index_cast %mul3A_426 : i32 to index
      %get3A_427 = tpu.vector_load %arg5[%get3A] {strides = array<i32>} : memref<3328xi32, #tpu.memory_space<vmem>>, vector<16xi32>,
      %get3A_428 = vector.shape_cast %get3A_427 : vector<16xi32> to vector<16xi32>
      %jit3A = arith.constant 0 : i32
      %jit3A_429 = arith.constant 99999 : i32
      %max3A = vector.broadcast %jit3A : i32 to vector<16xi32>
      %max3A_430 = arith.maxsi %max3A, %get3A_428 : vector<16xi32>
      %min3A = vector.broadcast %jit3A_429 : i32 to vector<16xi32>
      %min3A_431 = arith.minsi %min3A, %max3A_430 : vector<16xi32>
      %mul3A_432 = arith.constant 16 : i32
      %mul3A_433 = arith.muli %scan3A_423, %mul3A_432 : i32
      %iota3A = tpu.iota {dimensions = array<i32: 0>} : vector<16xi32>
      %add3A_434 = vector.broadcast %mul3A_433 : i32 to vector<16xi32>
      %add3A_435 = arith.addi %add3A_434, %iota3A : vector<16xi32>
      %jit3A_436 = arith.constant 26 : i32
      %eq3A = arith.constant 0 : i32
      %eq3A_437 = arith.cmpi eq, %jit3A_436, %eq3A : i32
      %jit3A_438 = arith.constant 1 : i32
      %select_n3A = arith.select %eq3A_437, %jit3A_438, %jit3A_436 : i32
      %rem3A = vector.broadcast %select_n3A : i32 to vector<16xi32>
      %rem3A_439 = arith.remsi %add3A_435, %rem3A : vector<16xi32>
      %ne3A = arith.constant 0 : i32
      %ne3A_440 = vector.broadcast %ne3A : i32 to vector<16xi32>
      %ne3A_441 = arith.cmpi ne, %rem3A_439, %ne3A_440 : vector<16xi32>
      %lt3A = arith.constant 0 : i32
      %lt3A_442 = vector.broadcast %lt3A : i32 to vector<16xi32>
      %lt3A_443 = arith.cmpi slt, %rem3A_439, %lt3A_442 : vector<16xi32>
      %lt3A_444 = arith.constant 0 : i32
      %lt3A_445 = arith.cmpi slt, %select_n3A, %lt3A_444 : i32
      %ne3A_446 = vector.broadcast %lt3A_445 : i1 to vector<16xi1>
      %ne3A_447 = vector.broadcast %ne3A_446 : vector<16xi1> to vector<16xi1>
      %ne3A_448 = arith.xori %lt3A_443, %ne3A_447 : vector<16xi1>
      %and3A = arith.andi %ne3A_448, %ne3A_441 : vector<16xi1>
      %add3A_449 = vector.broadcast %select_n3A : i32 to vector<16xi32>
      %add3A_450 = arith.addi %rem3A_439, %add3A_449 : vector<16xi32>
      %select_n3A_451 = arith.select %and3A, %add3A_450, %rem3A_439 : vector<16xi1>, vector<16xi32>
      %mul3A_452 = arith.constant 100000 : i32
      %mul3A_453 = vector.broadcast %mul3A_452 : i32 to vector<16xi32>
      %mul3A_454 = arith.muli %select_n3A_451, %mul3A_453 : vector<16xi32>
      %add3A_455 = arith.addi %min3A_431, %mul3A_454 : vector<16xi32>
      %mul3A_456 = arith.constant 16 : i32
      %mul3A_457 = arith.muli %scan3A_423, %mul3A_456 : i32
      %swap3A = arith.index_cast %mul3A_457 : i32 to index
      %swap3A_458 = tpu.vector_load %arg5[%swap3A] {strides = array<i32>} : memref<3328xi32, #tpu.memory_space<vmem>>, vector<16xi32>,
      %swap3A_459 = vector.shape_cast %swap3A_458 : vector<16xi32> to vector<16xi32>
      %swap3A_460 = vector.shape_cast %add3A_455 : vector<16xi32> to vector<16xi32>
      tpu.vector_store %arg5[%swap3A], %swap3A_460 {strides = array<i32>} : memref<3328xi32, #tpu.memory_space<vmem>>, vector<16xi32>,
      %scan3A_461 = arith.constant 0 : i32
      scf.yield %scan3A_461 : i32
    }
    %scan3A_8 = arith.constant 208 : i32
    %dma_start3A = arith.constant 0 : i32
    %dma_start3A_9 = arith.constant 0 : i32
    %dma_start3A_10 = tpu.memref_slice %arg6[%dma_start3A, %dma_start3A_9] : memref<3328x32xf32, #tpu.memory_space<vmem>> -> memref<128x32xf32, #tpu.memory_space<vmem>>
    %dma_start3A_11 = arith.constant 0 : i32
    %dma_start3A_12 = tpu.memref_slice %arg5[%dma_start3A_11] : memref<3328xi32, #tpu.memory_space<vmem>> -> memref<128xi32, #tpu.memory_space<vmem>>
    %dma_start3A_13 = arith.constant 0 : i32
    %dma_start3A_14 = arith.constant 0 : i32
    %dma_start3A_15 = tpu.memref_slice %arg3[%dma_start3A_13, %dma_start3A_14] : memref<2600000x32xf32, #tpu.memory_space<hbm>> -> memref<2600000x32xf32, #tpu.memory_space<hbm>>
    tpu.enqueue_indirect_dma source(%dma_start3A_15 : memref<2600000x32xf32, #tpu.memory_space<hbm>>) target(%dma_start3A_10 : memref<128x32xf32, #tpu.memory_space<vmem>>) offsets(%dma_start3A_12 : memref<128xi32, #tpu.memory_space<vmem>>) semaphore(%arg7 : memref<!tpu.dma_semaphore, #tpu.memory_space<semaphore_mem>>)
    %dma_start3A_16 = arith.constant 128 : i32
    %dma_start3A_17 = arith.constant 0 : i32
    %dma_start3A_18 = tpu.memref_slice %arg6[%dma_start3A_16, %dma_start3A_17] : memref<3328x32xf32, #tpu.memory_space<vmem>> -> memref<128x32xf32, #tpu.memory_space<vmem>>
    %dma_start3A_19 = arith.constant 128 : i32
    %dma_start3A_20 = tpu.memref_slice %arg5[%dma_start3A_19] : memref<3328xi32, #tpu.memory_space<vmem>> -> memref<128xi32, #tpu.memory_space<vmem>>
    %dma_start3A_21 = arith.constant 0 : i32
    %dma_start3A_22 = arith.constant 0 : i32
    %dma_start3A_23 = tpu.memref_slice %arg3[%dma_start3A_21, %dma_start3A_22] : memref<2600000x32xf32, #tpu.memory_space<hbm>> -> memref<2600000x32xf32, #tpu.memory_space<hbm>>
    tpu.enqueue_indirect_dma source(%dma_start3A_23 : memref<2600000x32xf32, #tpu.memory_space<hbm>>) target(%dma_start3A_18 : memref<128x32xf32, #tpu.memory_space<vmem>>) offsets(%dma_start3A_20 : memref<128xi32, #tpu.memory_space<vmem>>) semaphore(%arg7 : memref<!tpu.dma_semaphore, #tpu.memory_space<semaphore_mem>>)
    %dma_start3A_24 = arith.constant 256 : i32
    %dma_start3A_25 = arith.constant 0 : i32
    %dma_start3A_26 = tpu.memref_slice %arg6[%dma_start3A_24, %dma_start3A_25] : memref<3328x32xf32, #tpu.memory_space<vmem>> -> memref<128x32xf32, #tpu.memory_space<vmem>>
    %dma_start3A_27 = arith.constant 256 : i32
    %dma_start3A_28 = tpu.memref_slice %arg5[%dma_start3A_27] : memref<3328xi32, #tpu.memory_space<vmem>> -> memref<128xi32, #tpu.memory_space<vmem>>
    %dma_start3A_29 = arith.constant 0 : i32
    %dma_start3A_30 = arith.constant 0 : i32
    %dma_start3A_31 = tpu.memref_slice %arg3[%dma_start3A_29, %dma_start3A_30] : memref<2600000x32xf32, #tpu.memory_space<hbm>> -> memref<2600000x32xf32, #tpu.memory_space<hbm>>
    tpu.enqueue_indirect_dma source(%dma_start3A_31 : memref<2600000x32xf32, #tpu.memory_space<hbm>>) target(%dma_start3A_26 : memref<128x32xf32, #tpu.memory_space<vmem>>) offsets(%dma_start3A_28 : memref<128xi32, #tpu.memory_space<vmem>>) semaphore(%arg7 : memref<!tpu.dma_semaphore, #tpu.memory_space<semaphore_mem>>)
    %dma_start3A_32 = arith.constant 384 : i32
    %dma_start3A_33 = arith.constant 0 : i32
    %dma_start3A_34 = tpu.memref_slice %arg6[%dma_start3A_32, %dma_start3A_33] : memref<3328x32xf32, #tpu.memory_space<vmem>> -> memref<128x32xf32, #tpu.memory_space<vmem>>
    %dma_start3A_35 = arith.constant 384 : i32
    %dma_start3A_36 = tpu.memref_slice %arg5[%dma_start3A_35] : memref<3328xi32, #tpu.memory_space<vmem>> -> memref<128xi32, #tpu.memory_space<vmem>>
    %dma_start3A_37 = arith.constant 0 : i32
    %dma_start3A_38 = arith.constant 0 : i32
    %dma_start3A_39 = tpu.memref_slice %arg3[%dma_start3A_37, %dma_start3A_38] : memref<2600000x32xf32, #tpu.memory_space<hbm>> -> memref<2600000x32xf32, #tpu.memory_space<hbm>>
    tpu.enqueue_indirect_dma source(%dma_start3A_39 : memref<2600000x32xf32, #tpu.memory_space<hbm>>) target(%dma_start3A_34 : memref<128x32xf32, #tpu.memory_space<vmem>>) offsets(%dma_start3A_36 : memref<128xi32, #tpu.memory_space<vmem>>) semaphore(%arg7 : memref<!tpu.dma_semaphore, #tpu.memory_space<semaphore_mem>>)
    %dma_start3A_40 = arith.constant 512 : i32
    %dma_start3A_41 = arith.constant 0 : i32
    %dma_start3A_42 = tpu.memref_slice %arg6[%dma_start3A_40, %dma_start3A_41] : memref<3328x32xf32, #tpu.memory_space<vmem>> -> memref<128x32xf32, #tpu.memory_space<vmem>>
    %dma_start3A_43 = arith.constant 512 : i32
    %dma_start3A_44 = tpu.memref_slice %arg5[%dma_start3A_43] : memref<3328xi32, #tpu.memory_space<vmem>> -> memref<128xi32, #tpu.memory_space<vmem>>
    %dma_start3A_45 = arith.constant 0 : i32
    %dma_start3A_46 = arith.constant 0 : i32
    %dma_start3A_47 = tpu.memref_slice %arg3[%dma_start3A_45, %dma_start3A_46] : memref<2600000x32xf32, #tpu.memory_space<hbm>> -> memref<2600000x32xf32, #tpu.memory_space<hbm>>
    tpu.enqueue_indirect_dma source(%dma_start3A_47 : memref<2600000x32xf32, #tpu.memory_space<hbm>>) target(%dma_start3A_42 : memref<128x32xf32, #tpu.memory_space<vmem>>) offsets(%dma_start3A_44 : memref<128xi32, #tpu.memory_space<vmem>>) semaphore(%arg7 : memref<!tpu.dma_semaphore, #tpu.memory_space<semaphore_mem>>)
    %dma_start3A_48 = arith.constant 640 : i32
    %dma_start3A_49 = arith.constant 0 : i32
    %dma_start3A_50 = tpu.memref_slice %arg6[%dma_start3A_48, %dma_start3A_49] : memref<3328x32xf32, #tpu.memory_space<vmem>> -> memref<128x32xf32, #tpu.memory_space<vmem>>
    %dma_start3A_51 = arith.constant 640 : i32
    %dma_start3A_52 = tpu.memref_slice %arg5[%dma_start3A_51] : memref<3328xi32, #tpu.memory_space<vmem>> -> memref<128xi32, #tpu.memory_space<vmem>>
    %dma_start3A_53 = arith.constant 0 : i32
    %dma_start3A_54 = arith.constant 0 : i32
    %dma_start3A_55 = tpu.memref_slice %arg3[%dma_start3A_53, %dma_start3A_54] : memref<2600000x32xf32, #tpu.memory_space<hbm>> -> memref<2600000x32xf32, #tpu.memory_space<hbm>>
    tpu.enqueue_indirect_dma source(%dma_start3A_55 : memref<2600000x32xf32, #tpu.memory_space<hbm>>) target(%dma_start3A_50 : memref<128x32xf32, #tpu.memory_space<vmem>>) offsets(%dma_start3A_52 : memref<128xi32, #tpu.memory_space<vmem>>) semaphore(%arg7 : memref<!tpu.dma_semaphore, #tpu.memory_space<semaphore_mem>>)
    %dma_start3A_56 = arith.constant 768 : i32
    %dma_start3A_57 = arith.constant 0 : i32
    %dma_start3A_58 = tpu.memref_slice %arg6[%dma_start3A_56, %dma_start3A_57] : memref<3328x32xf32, #tpu.memory_space<vmem>> -> memref<128x32xf32, #tpu.memory_space<vmem>>
    %dma_start3A_59 = arith.constant 768 : i32
    %dma_start3A_60 = tpu.memref_slice %arg5[%dma_start3A_59] : memref<3328xi32, #tpu.memory_space<vmem>> -> memref<128xi32, #tpu.memory_space<vmem>>
    %dma_start3A_61 = arith.constant 0 : i32
    %dma_start3A_62 = arith.constant 0 : i32
    %dma_start3A_63 = tpu.memref_slice %arg3[%dma_start3A_61, %dma_start3A_62] : memref<2600000x32xf32, #tpu.memory_space<hbm>> -> memref<2600000x32xf32, #tpu.memory_space<hbm>>
    tpu.enqueue_indirect_dma source(%dma_start3A_63 : memref<2600000x32xf32, #tpu.memory_space<hbm>>) target(%dma_start3A_58 : memref<128x32xf32, #tpu.memory_space<vmem>>) offsets(%dma_start3A_60 : memref<128xi32, #tpu.memory_space<vmem>>) semaphore(%arg7 : memref<!tpu.dma_semaphore, #tpu.memory_space<semaphore_mem>>)
    %dma_start3A_64 = arith.constant 896 : i32
    %dma_start3A_65 = arith.constant 0 : i32
    %dma_start3A_66 = tpu.memref_slice %arg6[%dma_start3A_64, %dma_start3A_65] : memref<3328x32xf32, #tpu.memory_space<vmem>> -> memref<128x32xf32, #tpu.memory_space<vmem>>
    %dma_start3A_67 = arith.constant 896 : i32
    %dma_start3A_68 = tpu.memref_slice %arg5[%dma_start3A_67] : memref<3328xi32, #tpu.memory_space<vmem>> -> memref<128xi32, #tpu.memory_space<vmem>>
    %dma_start3A_69 = arith.constant 0 : i32
    %dma_start3A_70 = arith.constant 0 : i32
    %dma_start3A_71 = tpu.memref_slice %arg3[%dma_start3A_69, %dma_start3A_70] : memref<2600000x32xf32, #tpu.memory_space<hbm>> -> memref<2600000x32xf32, #tpu.memory_space<hbm>>
    tpu.enqueue_indirect_dma source(%dma_start3A_71 : memref<2600000x32xf32, #tpu.memory_space<hbm>>) target(%dma_start3A_66 : memref<128x32xf32, #tpu.memory_space<vmem>>) offsets(%dma_start3A_68 : memref<128xi32, #tpu.memory_space<vmem>>) semaphore(%arg7 : memref<!tpu.dma_semaphore, #tpu.memory_space<semaphore_mem>>)
    %dma_start3A_72 = arith.constant 1024 : i32
    %dma_start3A_73 = arith.constant 0 : i32
    %dma_start3A_74 = tpu.memref_slice %arg6[%dma_start3A_72, %dma_start3A_73] : memref<3328x32xf32, #tpu.memory_space<vmem>> -> memref<128x32xf32, #tpu.memory_space<vmem>>
    %dma_start3A_75 = arith.constant 1024 : i32
    %dma_start3A_76 = tpu.memref_slice %arg5[%dma_start3A_75] : memref<3328xi32, #tpu.memory_space<vmem>> -> memref<128xi32, #tpu.memory_space<vmem>>
    %dma_start3A_77 = arith.constant 0 : i32
    %dma_start3A_78 = arith.constant 0 : i32
    %dma_start3A_79 = tpu.memref_slice %arg3[%dma_start3A_77, %dma_start3A_78] : memref<2600000x32xf32, #tpu.memory_space<hbm>> -> memref<2600000x32xf32, #tpu.memory_space<hbm>>
    tpu.enqueue_indirect_dma source(%dma_start3A_79 : memref<2600000x32xf32, #tpu.memory_space<hbm>>) target(%dma_start3A_74 : memref<128x32xf32, #tpu.memory_space<vmem>>) offsets(%dma_start3A_76 : memref<128xi32, #tpu.memory_space<vmem>>) semaphore(%arg7 : memref<!tpu.dma_semaphore, #tpu.memory_space<semaphore_mem>>)
    %dma_start3A_80 = arith.constant 1152 : i32
    %dma_start3A_81 = arith.constant 0 : i32
    %dma_start3A_82 = tpu.memref_slice %arg6[%dma_start3A_80, %dma_start3A_81] : memref<3328x32xf32, #tpu.memory_space<vmem>> -> memref<128x32xf32, #tpu.memory_space<vmem>>
    %dma_start3A_83 = arith.constant 1152 : i32
    %dma_start3A_84 = tpu.memref_slice %arg5[%dma_start3A_83] : memref<3328xi32, #tpu.memory_space<vmem>> -> memref<128xi32, #tpu.memory_space<vmem>>
    %dma_start3A_85 = arith.constant 0 : i32
    %dma_start3A_86 = arith.constant 0 : i32
    %dma_start3A_87 = tpu.memref_slice %arg3[%dma_start3A_85, %dma_start3A_86] : memref<2600000x32xf32, #tpu.memory_space<hbm>> -> memref<2600000x32xf32, #tpu.memory_space<hbm>>
    tpu.enqueue_indirect_dma source(%dma_start3A_87 : memref<2600000x32xf32, #tpu.memory_space<hbm>>) target(%dma_start3A_82 : memref<128x32xf32, #tpu.memory_space<vmem>>) offsets(%dma_start3A_84 : memref<128xi32, #tpu.memory_space<vmem>>) semaphore(%arg7 : memref<!tpu.dma_semaphore, #tpu.memory_space<semaphore_mem>>)
    %dma_start3A_88 = arith.constant 1280 : i32
    %dma_start3A_89 = arith.constant 0 : i32
    %dma_start3A_90 = tpu.memref_slice %arg6[%dma_start3A_88, %dma_start3A_89] : memref<3328x32xf32, #tpu.memory_space<vmem>> -> memref<128x32xf32, #tpu.memory_space<vmem>>
    %dma_start3A_91 = arith.constant 1280 : i32
    %dma_start3A_92 = tpu.memref_slice %arg5[%dma_start3A_91] : memref<3328xi32, #tpu.memory_space<vmem>> -> memref<128xi32, #tpu.memory_space<vmem>>
    %dma_start3A_93 = arith.constant 0 : i32
    %dma_start3A_94 = arith.constant 0 : i32
    %dma_start3A_95 = tpu.memref_slice %arg3[%dma_start3A_93, %dma_start3A_94] : memref<2600000x32xf32, #tpu.memory_space<hbm>> -> memref<2600000x32xf32, #tpu.memory_space<hbm>>
    tpu.enqueue_indirect_dma source(%dma_start3A_95 : memref<2600000x32xf32, #tpu.memory_space<hbm>>) target(%dma_start3A_90 : memref<128x32xf32, #tpu.memory_space<vmem>>) offsets(%dma_start3A_92 : memref<128xi32, #tpu.memory_space<vmem>>) semaphore(%arg7 : memref<!tpu.dma_semaphore, #tpu.memory_space<semaphore_mem>>)
    %dma_start3A_96 = arith.constant 1408 : i32
    %dma_start3A_97 = arith.constant 0 : i32
    %dma_start3A_98 = tpu.memref_slice %arg6[%dma_start3A_96, %dma_start3A_97] : memref<3328x32xf32, #tpu.memory_space<vmem>> -> memref<128x32xf32, #tpu.memory_space<vmem>>
    %dma_start3A_99 = arith.constant 1408 : i32
    %dma_start3A_100 = tpu.memref_slice %arg5[%dma_start3A_99] : memref<3328xi32, #tpu.memory_space<vmem>> -> memref<128xi32, #tpu.memory_space<vmem>>
    %dma_start3A_101 = arith.constant 0 : i32
    %dma_start3A_102 = arith.constant 0 : i32
    %dma_start3A_103 = tpu.memref_slice %arg3[%dma_start3A_101, %dma_start3A_102] : memref<2600000x32xf32, #tpu.memory_space<hbm>> -> memref<2600000x32xf32, #tpu.memory_space<hbm>>
    tpu.enqueue_indirect_dma source(%dma_start3A_103 : memref<2600000x32xf32, #tpu.memory_space<hbm>>) target(%dma_start3A_98 : memref<128x32xf32, #tpu.memory_space<vmem>>) offsets(%dma_start3A_100 : memref<128xi32, #tpu.memory_space<vmem>>) semaphore(%arg7 : memref<!tpu.dma_semaphore, #tpu.memory_space<semaphore_mem>>)
    %dma_start3A_104 = arith.constant 1536 : i32
    %dma_start3A_105 = arith.constant 0 : i32
    %dma_start3A_106 = tpu.memref_slice %arg6[%dma_start3A_104, %dma_start3A_105] : memref<3328x32xf32, #tpu.memory_space<vmem>> -> memref<128x32xf32, #tpu.memory_space<vmem>>
    %dma_start3A_107 = arith.constant 1536 : i32
    %dma_start3A_108 = tpu.memref_slice %arg5[%dma_start3A_107] : memref<3328xi32, #tpu.memory_space<vmem>> -> memref<128xi32, #tpu.memory_space<vmem>>
    %dma_start3A_109 = arith.constant 0 : i32
    %dma_start3A_110 = arith.constant 0 : i32
    %dma_start3A_111 = tpu.memref_slice %arg3[%dma_start3A_109, %dma_start3A_110] : memref<2600000x32xf32, #tpu.memory_space<hbm>> -> memref<2600000x32xf32, #tpu.memory_space<hbm>>
    tpu.enqueue_indirect_dma source(%dma_start3A_111 : memref<2600000x32xf32, #tpu.memory_space<hbm>>) target(%dma_start3A_106 : memref<128x32xf32, #tpu.memory_space<vmem>>) offsets(%dma_start3A_108 : memref<128xi32, #tpu.memory_space<vmem>>) semaphore(%arg7 : memref<!tpu.dma_semaphore, #tpu.memory_space<semaphore_mem>>)
    %dma_start3A_112 = arith.constant 1664 : i32
    %dma_start3A_113 = arith.constant 0 : i32
    %dma_start3A_114 = tpu.memref_slice %arg6[%dma_start3A_112, %dma_start3A_113] : memref<3328x32xf32, #tpu.memory_space<vmem>> -> memref<128x32xf32, #tpu.memory_space<vmem>>
    %dma_start3A_115 = arith.constant 1664 : i32
    %dma_start3A_116 = tpu.memref_slice %arg5[%dma_start3A_115] : memref<3328xi32, #tpu.memory_space<vmem>> -> memref<128xi32, #tpu.memory_space<vmem>>
    %dma_start3A_117 = arith.constant 0 : i32
    %dma_start3A_118 = arith.constant 0 : i32
    %dma_start3A_119 = tpu.memref_slice %arg3[%dma_start3A_117, %dma_start3A_118] : memref<2600000x32xf32, #tpu.memory_space<hbm>> -> memref<2600000x32xf32, #tpu.memory_space<hbm>>
    tpu.enqueue_indirect_dma source(%dma_start3A_119 : memref<2600000x32xf32, #tpu.memory_space<hbm>>) target(%dma_start3A_114 : memref<128x32xf32, #tpu.memory_space<vmem>>) offsets(%dma_start3A_116 : memref<128xi32, #tpu.memory_space<vmem>>) semaphore(%arg7 : memref<!tpu.dma_semaphore, #tpu.memory_space<semaphore_mem>>)
    %dma_start3A_120 = arith.constant 1792 : i32
    %dma_start3A_121 = arith.constant 0 : i32
    %dma_start3A_122 = tpu.memref_slice %arg6[%dma_start3A_120, %dma_start3A_121] : memref<3328x32xf32, #tpu.memory_space<vmem>> -> memref<128x32xf32, #tpu.memory_space<vmem>>
    %dma_start3A_123 = arith.constant 1792 : i32
    %dma_start3A_124 = tpu.memref_slice %arg5[%dma_start3A_123] : memref<3328xi32, #tpu.memory_space<vmem>> -> memref<128xi32, #tpu.memory_space<vmem>>
    %dma_start3A_125 = arith.constant 0 : i32
    %dma_start3A_126 = arith.constant 0 : i32
    %dma_start3A_127 = tpu.memref_slice %arg3[%dma_start3A_125, %dma_start3A_126] : memref<2600000x32xf32, #tpu.memory_space<hbm>> -> memref<2600000x32xf32, #tpu.memory_space<hbm>>
    tpu.enqueue_indirect_dma source(%dma_start3A_127 : memref<2600000x32xf32, #tpu.memory_space<hbm>>) target(%dma_start3A_122 : memref<128x32xf32, #tpu.memory_space<vmem>>) offsets(%dma_start3A_124 : memref<128xi32, #tpu.memory_space<vmem>>) semaphore(%arg7 : memref<!tpu.dma_semaphore, #tpu.memory_space<semaphore_mem>>)
    %dma_start3A_128 = arith.constant 1920 : i32
    %dma_start3A_129 = arith.constant 0 : i32
    %dma_start3A_130 = tpu.memref_slice %arg6[%dma_start3A_128, %dma_start3A_129] : memref<3328x32xf32, #tpu.memory_space<vmem>> -> memref<128x32xf32, #tpu.memory_space<vmem>>
    %dma_start3A_131 = arith.constant 1920 : i32
    %dma_start3A_132 = tpu.memref_slice %arg5[%dma_start3A_131] : memref<3328xi32, #tpu.memory_space<vmem>> -> memref<128xi32, #tpu.memory_space<vmem>>
    %dma_start3A_133 = arith.constant 0 : i32
    %dma_start3A_134 = arith.constant 0 : i32
    %dma_start3A_135 = tpu.memref_slice %arg3[%dma_start3A_133, %dma_start3A_134] : memref<2600000x32xf32, #tpu.memory_space<hbm>> -> memref<2600000x32xf32, #tpu.memory_space<hbm>>
    tpu.enqueue_indirect_dma source(%dma_start3A_135 : memref<2600000x32xf32, #tpu.memory_space<hbm>>) target(%dma_start3A_130 : memref<128x32xf32, #tpu.memory_space<vmem>>) offsets(%dma_start3A_132 : memref<128xi32, #tpu.memory_space<vmem>>) semaphore(%arg7 : memref<!tpu.dma_semaphore, #tpu.memory_space<semaphore_mem>>)
    %dma_start3A_136 = arith.constant 2048 : i32
    %dma_start3A_137 = arith.constant 0 : i32
    %dma_start3A_138 = tpu.memref_slice %arg6[%dma_start3A_136, %dma_start3A_137] : memref<3328x32xf32, #tpu.memory_space<vmem>> -> memref<128x32xf32, #tpu.memory_space<vmem>>
    %dma_start3A_139 = arith.constant 2048 : i32
    %dma_start3A_140 = tpu.memref_slice %arg5[%dma_start3A_139] : memref<3328xi32, #tpu.memory_space<vmem>> -> memref<128xi32, #tpu.memory_space<vmem>>
    %dma_start3A_141 = arith.constant 0 : i32
    %dma_start3A_142 = arith.constant 0 : i32
    %dma_start3A_143 = tpu.memref_slice %arg3[%dma_start3A_141, %dma_start3A_142] : memref<2600000x32xf32, #tpu.memory_space<hbm>> -> memref<2600000x32xf32, #tpu.memory_space<hbm>>
    tpu.enqueue_indirect_dma source(%dma_start3A_143 : memref<2600000x32xf32, #tpu.memory_space<hbm>>) target(%dma_start3A_138 : memref<128x32xf32, #tpu.memory_space<vmem>>) offsets(%dma_start3A_140 : memref<128xi32, #tpu.memory_space<vmem>>) semaphore(%arg7 : memref<!tpu.dma_semaphore, #tpu.memory_space<semaphore_mem>>)
    %dma_start3A_144 = arith.constant 2176 : i32
    %dma_start3A_145 = arith.constant 0 : i32
    %dma_start3A_146 = tpu.memref_slice %arg6[%dma_start3A_144, %dma_start3A_145] : memref<3328x32xf32, #tpu.memory_space<vmem>> -> memref<128x32xf32, #tpu.memory_space<vmem>>
    %dma_start3A_147 = arith.constant 2176 : i32
    %dma_start3A_148 = tpu.memref_slice %arg5[%dma_start3A_147] : memref<3328xi32, #tpu.memory_space<vmem>> -> memref<128xi32, #tpu.memory_space<vmem>>
    %dma_start3A_149 = arith.constant 0 : i32
    %dma_start3A_150 = arith.constant 0 : i32
    %dma_start3A_151 = tpu.memref_slice %arg3[%dma_start3A_149, %dma_start3A_150] : memref<2600000x32xf32, #tpu.memory_space<hbm>> -> memref<2600000x32xf32, #tpu.memory_space<hbm>>
    tpu.enqueue_indirect_dma source(%dma_start3A_151 : memref<2600000x32xf32, #tpu.memory_space<hbm>>) target(%dma_start3A_146 : memref<128x32xf32, #tpu.memory_space<vmem>>) offsets(%dma_start3A_148 : memref<128xi32, #tpu.memory_space<vmem>>) semaphore(%arg7 : memref<!tpu.dma_semaphore, #tpu.memory_space<semaphore_mem>>)
    %dma_start3A_152 = arith.constant 2304 : i32
    %dma_start3A_153 = arith.constant 0 : i32
    %dma_start3A_154 = tpu.memref_slice %arg6[%dma_start3A_152, %dma_start3A_153] : memref<3328x32xf32, #tpu.memory_space<vmem>> -> memref<128x32xf32, #tpu.memory_space<vmem>>
    %dma_start3A_155 = arith.constant 2304 : i32
    %dma_start3A_156 = tpu.memref_slice %arg5[%dma_start3A_155] : memref<3328xi32, #tpu.memory_space<vmem>> -> memref<128xi32, #tpu.memory_space<vmem>>
    %dma_start3A_157 = arith.constant 0 : i32
    %dma_start3A_158 = arith.constant 0 : i32
    %dma_start3A_159 = tpu.memref_slice %arg3[%dma_start3A_157, %dma_start3A_158] : memref<2600000x32xf32, #tpu.memory_space<hbm>> -> memref<2600000x32xf32, #tpu.memory_space<hbm>>
    tpu.enqueue_indirect_dma source(%dma_start3A_159 : memref<2600000x32xf32, #tpu.memory_space<hbm>>) target(%dma_start3A_154 : memref<128x32xf32, #tpu.memory_space<vmem>>) offsets(%dma_start3A_156 : memref<128xi32, #tpu.memory_space<vmem>>) semaphore(%arg7 : memref<!tpu.dma_semaphore, #tpu.memory_space<semaphore_mem>>)
    %dma_start3A_160 = arith.constant 2432 : i32
    %dma_start3A_161 = arith.constant 0 : i32
    %dma_start3A_162 = tpu.memref_slice %arg6[%dma_start3A_160, %dma_start3A_161] : memref<3328x32xf32, #tpu.memory_space<vmem>> -> memref<128x32xf32, #tpu.memory_space<vmem>>
    %dma_start3A_163 = arith.constant 2432 : i32
    %dma_start3A_164 = tpu.memref_slice %arg5[%dma_start3A_163] : memref<3328xi32, #tpu.memory_space<vmem>> -> memref<128xi32, #tpu.memory_space<vmem>>
    %dma_start3A_165 = arith.constant 0 : i32
    %dma_start3A_166 = arith.constant 0 : i32
    %dma_start3A_167 = tpu.memref_slice %arg3[%dma_start3A_165, %dma_start3A_166] : memref<2600000x32xf32, #tpu.memory_space<hbm>> -> memref<2600000x32xf32, #tpu.memory_space<hbm>>
    tpu.enqueue_indirect_dma source(%dma_start3A_167 : memref<2600000x32xf32, #tpu.memory_space<hbm>>) target(%dma_start3A_162 : memref<128x32xf32, #tpu.memory_space<vmem>>) offsets(%dma_start3A_164 : memref<128xi32, #tpu.memory_space<vmem>>) semaphore(%arg7 : memref<!tpu.dma_semaphore, #tpu.memory_space<semaphore_mem>>)
    %dma_start3A_168 = arith.constant 2560 : i32
    %dma_start3A_169 = arith.constant 0 : i32
    %dma_start3A_170 = tpu.memref_slice %arg6[%dma_start3A_168, %dma_start3A_169] : memref<3328x32xf32, #tpu.memory_space<vmem>> -> memref<128x32xf32, #tpu.memory_space<vmem>>
    %dma_start3A_171 = arith.constant 2560 : i32
    %dma_start3A_172 = tpu.memref_slice %arg5[%dma_start3A_171] : memref<3328xi32, #tpu.memory_space<vmem>> -> memref<128xi32, #tpu.memory_space<vmem>>
    %dma_start3A_173 = arith.constant 0 : i32
    %dma_start3A_174 = arith.constant 0 : i32
    %dma_start3A_175 = tpu.memref_slice %arg3[%dma_start3A_173, %dma_start3A_174] : memref<2600000x32xf32, #tpu.memory_space<hbm>> -> memref<2600000x32xf32, #tpu.memory_space<hbm>>
    tpu.enqueue_indirect_dma source(%dma_start3A_175 : memref<2600000x32xf32, #tpu.memory_space<hbm>>) target(%dma_start3A_170 : memref<128x32xf32, #tpu.memory_space<vmem>>) offsets(%dma_start3A_172 : memref<128xi32, #tpu.memory_space<vmem>>) semaphore(%arg7 : memref<!tpu.dma_semaphore, #tpu.memory_space<semaphore_mem>>)
    %dma_start3A_176 = arith.constant 2688 : i32
    %dma_start3A_177 = arith.constant 0 : i32
    %dma_start3A_178 = tpu.memref_slice %arg6[%dma_start3A_176, %dma_start3A_177] : memref<3328x32xf32, #tpu.memory_space<vmem>> -> memref<128x32xf32, #tpu.memory_space<vmem>>
    %dma_start3A_179 = arith.constant 2688 : i32
    %dma_start3A_180 = tpu.memref_slice %arg5[%dma_start3A_179] : memref<3328xi32, #tpu.memory_space<vmem>> -> memref<128xi32, #tpu.memory_space<vmem>>
    %dma_start3A_181 = arith.constant 0 : i32
    %dma_start3A_182 = arith.constant 0 : i32
    %dma_start3A_183 = tpu.memref_slice %arg3[%dma_start3A_181, %dma_start3A_182] : memref<2600000x32xf32, #tpu.memory_space<hbm>> -> memref<2600000x32xf32, #tpu.memory_space<hbm>>
    tpu.enqueue_indirect_dma source(%dma_start3A_183 : memref<2600000x32xf32, #tpu.memory_space<hbm>>) target(%dma_start3A_178 : memref<128x32xf32, #tpu.memory_space<vmem>>) offsets(%dma_start3A_180 : memref<128xi32, #tpu.memory_space<vmem>>) semaphore(%arg7 : memref<!tpu.dma_semaphore, #tpu.memory_space<semaphore_mem>>)
    %dma_start3A_184 = arith.constant 2816 : i32
    %dma_start3A_185 = arith.constant 0 : i32
    %dma_start3A_186 = tpu.memref_slice %arg6[%dma_start3A_184, %dma_start3A_185] : memref<3328x32xf32, #tpu.memory_space<vmem>> -> memref<128x32xf32, #tpu.memory_space<vmem>>
    %dma_start3A_187 = arith.constant 2816 : i32
    %dma_start3A_188 = tpu.memref_slice %arg5[%dma_start3A_187] : memref<3328xi32, #tpu.memory_space<vmem>> -> memref<128xi32, #tpu.memory_space<vmem>>
    %dma_start3A_189 = arith.constant 0 : i32
    %dma_start3A_190 = arith.constant 0 : i32
    %dma_start3A_191 = tpu.memref_slice %arg3[%dma_start3A_189, %dma_start3A_190] : memref<2600000x32xf32, #tpu.memory_space<hbm>> -> memref<2600000x32xf32, #tpu.memory_space<hbm>>
    tpu.enqueue_indirect_dma source(%dma_start3A_191 : memref<2600000x32xf32, #tpu.memory_space<hbm>>) target(%dma_start3A_186 : memref<128x32xf32, #tpu.memory_space<vmem>>) offsets(%dma_start3A_188 : memref<128xi32, #tpu.memory_space<vmem>>) semaphore(%arg7 : memref<!tpu.dma_semaphore, #tpu.memory_space<semaphore_mem>>)
    %dma_start3A_192 = arith.constant 2944 : i32
    %dma_start3A_193 = arith.constant 0 : i32
    %dma_start3A_194 = tpu.memref_slice %arg6[%dma_start3A_192, %dma_start3A_193] : memref<3328x32xf32, #tpu.memory_space<vmem>> -> memref<128x32xf32, #tpu.memory_space<vmem>>
    %dma_start3A_195 = arith.constant 2944 : i32
    %dma_start3A_196 = tpu.memref_slice %arg5[%dma_start3A_195] : memref<3328xi32, #tpu.memory_space<vmem>> -> memref<128xi32, #tpu.memory_space<vmem>>
    %dma_start3A_197 = arith.constant 0 : i32
    %dma_start3A_198 = arith.constant 0 : i32
    %dma_start3A_199 = tpu.memref_slice %arg3[%dma_start3A_197, %dma_start3A_198] : memref<2600000x32xf32, #tpu.memory_space<hbm>> -> memref<2600000x32xf32, #tpu.memory_space<hbm>>
    tpu.enqueue_indirect_dma source(%dma_start3A_199 : memref<2600000x32xf32, #tpu.memory_space<hbm>>) target(%dma_start3A_194 : memref<128x32xf32, #tpu.memory_space<vmem>>) offsets(%dma_start3A_196 : memref<128xi32, #tpu.memory_space<vmem>>) semaphore(%arg7 : memref<!tpu.dma_semaphore, #tpu.memory_space<semaphore_mem>>)
    %dma_start3A_200 = arith.constant 3072 : i32
    %dma_start3A_201 = arith.constant 0 : i32
    %dma_start3A_202 = tpu.memref_slice %arg6[%dma_start3A_200, %dma_start3A_201] : memref<3328x32xf32, #tpu.memory_space<vmem>> -> memref<128x32xf32, #tpu.memory_space<vmem>>
    %dma_start3A_203 = arith.constant 3072 : i32
    %dma_start3A_204 = tpu.memref_slice %arg5[%dma_start3A_203] : memref<3328xi32, #tpu.memory_space<vmem>> -> memref<128xi32, #tpu.memory_space<vmem>>
    %dma_start3A_205 = arith.constant 0 : i32
    %dma_start3A_206 = arith.constant 0 : i32
    %dma_start3A_207 = tpu.memref_slice %arg3[%dma_start3A_205, %dma_start3A_206] : memref<2600000x32xf32, #tpu.memory_space<hbm>> -> memref<2600000x32xf32, #tpu.memory_space<hbm>>
    tpu.enqueue_indirect_dma source(%dma_start3A_207 : memref<2600000x32xf32, #tpu.memory_space<hbm>>) target(%dma_start3A_202 : memref<128x32xf32, #tpu.memory_space<vmem>>) offsets(%dma_start3A_204 : memref<128xi32, #tpu.memory_space<vmem>>) semaphore(%arg7 : memref<!tpu.dma_semaphore, #tpu.memory_space<semaphore_mem>>)
    %dma_start3A_208 = arith.constant 3200 : i32
    %dma_start3A_209 = arith.constant 0 : i32
    %dma_start3A_210 = tpu.memref_slice %arg6[%dma_start3A_208, %dma_start3A_209] : memref<3328x32xf32, #tpu.memory_space<vmem>> -> memref<128x32xf32, #tpu.memory_space<vmem>>
    %dma_start3A_211 = arith.constant 3200 : i32
    %dma_start3A_212 = tpu.memref_slice %arg5[%dma_start3A_211] : memref<3328xi32, #tpu.memory_space<vmem>> -> memref<128xi32, #tpu.memory_space<vmem>>
    %dma_start3A_213 = arith.constant 0 : i32
    %dma_start3A_214 = arith.constant 0 : i32
    %dma_start3A_215 = tpu.memref_slice %arg3[%dma_start3A_213, %dma_start3A_214] : memref<2600000x32xf32, #tpu.memory_space<hbm>> -> memref<2600000x32xf32, #tpu.memory_space<hbm>>
    tpu.enqueue_indirect_dma source(%dma_start3A_215 : memref<2600000x32xf32, #tpu.memory_space<hbm>>) target(%dma_start3A_210 : memref<128x32xf32, #tpu.memory_space<vmem>>) offsets(%dma_start3A_212 : memref<128xi32, #tpu.memory_space<vmem>>) semaphore(%arg7 : memref<!tpu.dma_semaphore, #tpu.memory_space<semaphore_mem>>)
    %dma_wait3A = arith.constant 0 : i32
    %dma_wait3A_216 = arith.constant 0 : i32
    %dma_wait3A_217 = tpu.memref_slice %arg6[%dma_wait3A, %dma_wait3A_216] : memref<3328x32xf32, #tpu.memory_space<vmem>> -> memref<128x32xf32, #tpu.memory_space<vmem>>
    %dma_wait3A_218 = arith.constant 0 : i32
    %dma_wait3A_219 = tpu.memref_slice %arg5[%dma_wait3A_218] : memref<3328xi32, #tpu.memory_space<vmem>> -> memref<128xi32, #tpu.memory_space<vmem>>
    %dma_wait3A_220 = arith.constant 0 : i32
    %dma_wait3A_221 = arith.constant 0 : i32
    %dma_wait3A_222 = tpu.memref_slice %arg3[%dma_wait3A_220, %dma_wait3A_221] : memref<2600000x32xf32, #tpu.memory_space<hbm>> -> memref<2600000x32xf32, #tpu.memory_space<hbm>>
    tpu.wait_indirect_dma semaphore(%arg7 : memref<!tpu.dma_semaphore, #tpu.memory_space<semaphore_mem>>) src(%dma_wait3A_222 : memref<2600000x32xf32, #tpu.memory_space<hbm>>) dst(%dma_wait3A_217 : memref<128x32xf32, #tpu.memory_space<vmem>>)
    %dma_wait3A_223 = arith.constant 128 : i32
    %dma_wait3A_224 = arith.constant 0 : i32
    %dma_wait3A_225 = tpu.memref_slice %arg6[%dma_wait3A_223, %dma_wait3A_224] : memref<3328x32xf32, #tpu.memory_space<vmem>> -> memref<128x32xf32, #tpu.memory_space<vmem>>
    %dma_wait3A_226 = arith.constant 128 : i32
    %dma_wait3A_227 = tpu.memref_slice %arg5[%dma_wait3A_226] : memref<3328xi32, #tpu.memory_space<vmem>> -> memref<128xi32, #tpu.memory_space<vmem>>
    %dma_wait3A_228 = arith.constant 0 : i32
    %dma_wait3A_229 = arith.constant 0 : i32
    %dma_wait3A_230 = tpu.memref_slice %arg3[%dma_wait3A_228, %dma_wait3A_229] : memref<2600000x32xf32, #tpu.memory_space<hbm>> -> memref<2600000x32xf32, #tpu.memory_space<hbm>>
    tpu.wait_indirect_dma semaphore(%arg7 : memref<!tpu.dma_semaphore, #tpu.memory_space<semaphore_mem>>) src(%dma_wait3A_230 : memref<2600000x32xf32, #tpu.memory_space<hbm>>) dst(%dma_wait3A_225 : memref<128x32xf32, #tpu.memory_space<vmem>>)
    %dma_wait3A_231 = arith.constant 256 : i32
    %dma_wait3A_232 = arith.constant 0 : i32
    %dma_wait3A_233 = tpu.memref_slice %arg6[%dma_wait3A_231, %dma_wait3A_232] : memref<3328x32xf32, #tpu.memory_space<vmem>> -> memref<128x32xf32, #tpu.memory_space<vmem>>
    %dma_wait3A_234 = arith.constant 256 : i32
    %dma_wait3A_235 = tpu.memref_slice %arg5[%dma_wait3A_234] : memref<3328xi32, #tpu.memory_space<vmem>> -> memref<128xi32, #tpu.memory_space<vmem>>
    %dma_wait3A_236 = arith.constant 0 : i32
    %dma_wait3A_237 = arith.constant 0 : i32
    %dma_wait3A_238 = tpu.memref_slice %arg3[%dma_wait3A_236, %dma_wait3A_237] : memref<2600000x32xf32, #tpu.memory_space<hbm>> -> memref<2600000x32xf32, #tpu.memory_space<hbm>>
    tpu.wait_indirect_dma semaphore(%arg7 : memref<!tpu.dma_semaphore, #tpu.memory_space<semaphore_mem>>) src(%dma_wait3A_238 : memref<2600000x32xf32, #tpu.memory_space<hbm>>) dst(%dma_wait3A_233 : memref<128x32xf32, #tpu.memory_space<vmem>>)
    %dma_wait3A_239 = arith.constant 384 : i32
    %dma_wait3A_240 = arith.constant 0 : i32
    %dma_wait3A_241 = tpu.memref_slice %arg6[%dma_wait3A_239, %dma_wait3A_240] : memref<3328x32xf32, #tpu.memory_space<vmem>> -> memref<128x32xf32, #tpu.memory_space<vmem>>
    %dma_wait3A_242 = arith.constant 384 : i32
    %dma_wait3A_243 = tpu.memref_slice %arg5[%dma_wait3A_242] : memref<3328xi32, #tpu.memory_space<vmem>> -> memref<128xi32, #tpu.memory_space<vmem>>
    %dma_wait3A_244 = arith.constant 0 : i32
    %dma_wait3A_245 = arith.constant 0 : i32
    %dma_wait3A_246 = tpu.memref_slice %arg3[%dma_wait3A_244, %dma_wait3A_245] : memref<2600000x32xf32, #tpu.memory_space<hbm>> -> memref<2600000x32xf32, #tpu.memory_space<hbm>>
    tpu.wait_indirect_dma semaphore(%arg7 : memref<!tpu.dma_semaphore, #tpu.memory_space<semaphore_mem>>) src(%dma_wait3A_246 : memref<2600000x32xf32, #tpu.memory_space<hbm>>) dst(%dma_wait3A_241 : memref<128x32xf32, #tpu.memory_space<vmem>>)
    %dma_wait3A_247 = arith.constant 512 : i32
    %dma_wait3A_248 = arith.constant 0 : i32
    %dma_wait3A_249 = tpu.memref_slice %arg6[%dma_wait3A_247, %dma_wait3A_248] : memref<3328x32xf32, #tpu.memory_space<vmem>> -> memref<128x32xf32, #tpu.memory_space<vmem>>
    %dma_wait3A_250 = arith.constant 512 : i32
    %dma_wait3A_251 = tpu.memref_slice %arg5[%dma_wait3A_250] : memref<3328xi32, #tpu.memory_space<vmem>> -> memref<128xi32, #tpu.memory_space<vmem>>
    %dma_wait3A_252 = arith.constant 0 : i32
    %dma_wait3A_253 = arith.constant 0 : i32
    %dma_wait3A_254 = tpu.memref_slice %arg3[%dma_wait3A_252, %dma_wait3A_253] : memref<2600000x32xf32, #tpu.memory_space<hbm>> -> memref<2600000x32xf32, #tpu.memory_space<hbm>>
    tpu.wait_indirect_dma semaphore(%arg7 : memref<!tpu.dma_semaphore, #tpu.memory_space<semaphore_mem>>) src(%dma_wait3A_254 : memref<2600000x32xf32, #tpu.memory_space<hbm>>) dst(%dma_wait3A_249 : memref<128x32xf32, #tpu.memory_space<vmem>>)
    %dma_wait3A_255 = arith.constant 640 : i32
    %dma_wait3A_256 = arith.constant 0 : i32
    %dma_wait3A_257 = tpu.memref_slice %arg6[%dma_wait3A_255, %dma_wait3A_256] : memref<3328x32xf32, #tpu.memory_space<vmem>> -> memref<128x32xf32, #tpu.memory_space<vmem>>
    %dma_wait3A_258 = arith.constant 640 : i32
    %dma_wait3A_259 = tpu.memref_slice %arg5[%dma_wait3A_258] : memref<3328xi32, #tpu.memory_space<vmem>> -> memref<128xi32, #tpu.memory_space<vmem>>
    %dma_wait3A_260 = arith.constant 0 : i32
    %dma_wait3A_261 = arith.constant 0 : i32
    %dma_wait3A_262 = tpu.memref_slice %arg3[%dma_wait3A_260, %dma_wait3A_261] : memref<2600000x32xf32, #tpu.memory_space<hbm>> -> memref<2600000x32xf32, #tpu.memory_space<hbm>>
    tpu.wait_indirect_dma semaphore(%arg7 : memref<!tpu.dma_semaphore, #tpu.memory_space<semaphore_mem>>) src(%dma_wait3A_262 : memref<2600000x32xf32, #tpu.memory_space<hbm>>) dst(%dma_wait3A_257 : memref<128x32xf32, #tpu.memory_space<vmem>>)
    %dma_wait3A_263 = arith.constant 768 : i32
    %dma_wait3A_264 = arith.constant 0 : i32
    %dma_wait3A_265 = tpu.memref_slice %arg6[%dma_wait3A_263, %dma_wait3A_264] : memref<3328x32xf32, #tpu.memory_space<vmem>> -> memref<128x32xf32, #tpu.memory_space<vmem>>
    %dma_wait3A_266 = arith.constant 768 : i32
    %dma_wait3A_267 = tpu.memref_slice %arg5[%dma_wait3A_266] : memref<3328xi32, #tpu.memory_space<vmem>> -> memref<128xi32, #tpu.memory_space<vmem>>
    %dma_wait3A_268 = arith.constant 0 : i32
    %dma_wait3A_269 = arith.constant 0 : i32
    %dma_wait3A_270 = tpu.memref_slice %arg3[%dma_wait3A_268, %dma_wait3A_269] : memref<2600000x32xf32, #tpu.memory_space<hbm>> -> memref<2600000x32xf32, #tpu.memory_space<hbm>>
    tpu.wait_indirect_dma semaphore(%arg7 : memref<!tpu.dma_semaphore, #tpu.memory_space<semaphore_mem>>) src(%dma_wait3A_270 : memref<2600000x32xf32, #tpu.memory_space<hbm>>) dst(%dma_wait3A_265 : memref<128x32xf32, #tpu.memory_space<vmem>>)
    %dma_wait3A_271 = arith.constant 896 : i32
    %dma_wait3A_272 = arith.constant 0 : i32
    %dma_wait3A_273 = tpu.memref_slice %arg6[%dma_wait3A_271, %dma_wait3A_272] : memref<3328x32xf32, #tpu.memory_space<vmem>> -> memref<128x32xf32, #tpu.memory_space<vmem>>
    %dma_wait3A_274 = arith.constant 896 : i32
    %dma_wait3A_275 = tpu.memref_slice %arg5[%dma_wait3A_274] : memref<3328xi32, #tpu.memory_space<vmem>> -> memref<128xi32, #tpu.memory_space<vmem>>
    %dma_wait3A_276 = arith.constant 0 : i32
    %dma_wait3A_277 = arith.constant 0 : i32
    %dma_wait3A_278 = tpu.memref_slice %arg3[%dma_wait3A_276, %dma_wait3A_277] : memref<2600000x32xf32, #tpu.memory_space<hbm>> -> memref<2600000x32xf32, #tpu.memory_space<hbm>>
    tpu.wait_indirect_dma semaphore(%arg7 : memref<!tpu.dma_semaphore, #tpu.memory_space<semaphore_mem>>) src(%dma_wait3A_278 : memref<2600000x32xf32, #tpu.memory_space<hbm>>) dst(%dma_wait3A_273 : memref<128x32xf32, #tpu.memory_space<vmem>>)
    %dma_wait3A_279 = arith.constant 1024 : i32
    %dma_wait3A_280 = arith.constant 0 : i32
    %dma_wait3A_281 = tpu.memref_slice %arg6[%dma_wait3A_279, %dma_wait3A_280] : memref<3328x32xf32, #tpu.memory_space<vmem>> -> memref<128x32xf32, #tpu.memory_space<vmem>>
    %dma_wait3A_282 = arith.constant 1024 : i32
    %dma_wait3A_283 = tpu.memref_slice %arg5[%dma_wait3A_282] : memref<3328xi32, #tpu.memory_space<vmem>> -> memref<128xi32, #tpu.memory_space<vmem>>
    %dma_wait3A_284 = arith.constant 0 : i32
    %dma_wait3A_285 = arith.constant 0 : i32
    %dma_wait3A_286 = tpu.memref_slice %arg3[%dma_wait3A_284, %dma_wait3A_285] : memref<2600000x32xf32, #tpu.memory_space<hbm>> -> memref<2600000x32xf32, #tpu.memory_space<hbm>>
    tpu.wait_indirect_dma semaphore(%arg7 : memref<!tpu.dma_semaphore, #tpu.memory_space<semaphore_mem>>) src(%dma_wait3A_286 : memref<2600000x32xf32, #tpu.memory_space<hbm>>) dst(%dma_wait3A_281 : memref<128x32xf32, #tpu.memory_space<vmem>>)
    %dma_wait3A_287 = arith.constant 1152 : i32
    %dma_wait3A_288 = arith.constant 0 : i32
    %dma_wait3A_289 = tpu.memref_slice %arg6[%dma_wait3A_287, %dma_wait3A_288] : memref<3328x32xf32, #tpu.memory_space<vmem>> -> memref<128x32xf32, #tpu.memory_space<vmem>>
    %dma_wait3A_290 = arith.constant 1152 : i32
    %dma_wait3A_291 = tpu.memref_slice %arg5[%dma_wait3A_290] : memref<3328xi32, #tpu.memory_space<vmem>> -> memref<128xi32, #tpu.memory_space<vmem>>
    %dma_wait3A_292 = arith.constant 0 : i32
    %dma_wait3A_293 = arith.constant 0 : i32
    %dma_wait3A_294 = tpu.memref_slice %arg3[%dma_wait3A_292, %dma_wait3A_293] : memref<2600000x32xf32, #tpu.memory_space<hbm>> -> memref<2600000x32xf32, #tpu.memory_space<hbm>>
    tpu.wait_indirect_dma semaphore(%arg7 : memref<!tpu.dma_semaphore, #tpu.memory_space<semaphore_mem>>) src(%dma_wait3A_294 : memref<2600000x32xf32, #tpu.memory_space<hbm>>) dst(%dma_wait3A_289 : memref<128x32xf32, #tpu.memory_space<vmem>>)
    %dma_wait3A_295 = arith.constant 1280 : i32
    %dma_wait3A_296 = arith.constant 0 : i32
    %dma_wait3A_297 = tpu.memref_slice %arg6[%dma_wait3A_295, %dma_wait3A_296] : memref<3328x32xf32, #tpu.memory_space<vmem>> -> memref<128x32xf32, #tpu.memory_space<vmem>>
    %dma_wait3A_298 = arith.constant 1280 : i32
    %dma_wait3A_299 = tpu.memref_slice %arg5[%dma_wait3A_298] : memref<3328xi32, #tpu.memory_space<vmem>> -> memref<128xi32, #tpu.memory_space<vmem>>
    %dma_wait3A_300 = arith.constant 0 : i32
    %dma_wait3A_301 = arith.constant 0 : i32
    %dma_wait3A_302 = tpu.memref_slice %arg3[%dma_wait3A_300, %dma_wait3A_301] : memref<2600000x32xf32, #tpu.memory_space<hbm>> -> memref<2600000x32xf32, #tpu.memory_space<hbm>>
    tpu.wait_indirect_dma semaphore(%arg7 : memref<!tpu.dma_semaphore, #tpu.memory_space<semaphore_mem>>) src(%dma_wait3A_302 : memref<2600000x32xf32, #tpu.memory_space<hbm>>) dst(%dma_wait3A_297 : memref<128x32xf32, #tpu.memory_space<vmem>>)
    %dma_wait3A_303 = arith.constant 1408 : i32
    %dma_wait3A_304 = arith.constant 0 : i32
    %dma_wait3A_305 = tpu.memref_slice %arg6[%dma_wait3A_303, %dma_wait3A_304] : memref<3328x32xf32, #tpu.memory_space<vmem>> -> memref<128x32xf32, #tpu.memory_space<vmem>>
    %dma_wait3A_306 = arith.constant 1408 : i32
    %dma_wait3A_307 = tpu.memref_slice %arg5[%dma_wait3A_306] : memref<3328xi32, #tpu.memory_space<vmem>> -> memref<128xi32, #tpu.memory_space<vmem>>
    %dma_wait3A_308 = arith.constant 0 : i32
    %dma_wait3A_309 = arith.constant 0 : i32
    %dma_wait3A_310 = tpu.memref_slice %arg3[%dma_wait3A_308, %dma_wait3A_309] : memref<2600000x32xf32, #tpu.memory_space<hbm>> -> memref<2600000x32xf32, #tpu.memory_space<hbm>>
    tpu.wait_indirect_dma semaphore(%arg7 : memref<!tpu.dma_semaphore, #tpu.memory_space<semaphore_mem>>) src(%dma_wait3A_310 : memref<2600000x32xf32, #tpu.memory_space<hbm>>) dst(%dma_wait3A_305 : memref<128x32xf32, #tpu.memory_space<vmem>>)
    %dma_wait3A_311 = arith.constant 1536 : i32
    %dma_wait3A_312 = arith.constant 0 : i32
    %dma_wait3A_313 = tpu.memref_slice %arg6[%dma_wait3A_311, %dma_wait3A_312] : memref<3328x32xf32, #tpu.memory_space<vmem>> -> memref<128x32xf32, #tpu.memory_space<vmem>>
    %dma_wait3A_314 = arith.constant 1536 : i32
    %dma_wait3A_315 = tpu.memref_slice %arg5[%dma_wait3A_314] : memref<3328xi32, #tpu.memory_space<vmem>> -> memref<128xi32, #tpu.memory_space<vmem>>
    %dma_wait3A_316 = arith.constant 0 : i32
    %dma_wait3A_317 = arith.constant 0 : i32
    %dma_wait3A_318 = tpu.memref_slice %arg3[%dma_wait3A_316, %dma_wait3A_317] : memref<2600000x32xf32, #tpu.memory_space<hbm>> -> memref<2600000x32xf32, #tpu.memory_space<hbm>>
    tpu.wait_indirect_dma semaphore(%arg7 : memref<!tpu.dma_semaphore, #tpu.memory_space<semaphore_mem>>) src(%dma_wait3A_318 : memref<2600000x32xf32, #tpu.memory_space<hbm>>) dst(%dma_wait3A_313 : memref<128x32xf32, #tpu.memory_space<vmem>>)
    %dma_wait3A_319 = arith.constant 1664 : i32
    %dma_wait3A_320 = arith.constant 0 : i32
    %dma_wait3A_321 = tpu.memref_slice %arg6[%dma_wait3A_319, %dma_wait3A_320] : memref<3328x32xf32, #tpu.memory_space<vmem>> -> memref<128x32xf32, #tpu.memory_space<vmem>>
    %dma_wait3A_322 = arith.constant 1664 : i32
    %dma_wait3A_323 = tpu.memref_slice %arg5[%dma_wait3A_322] : memref<3328xi32, #tpu.memory_space<vmem>> -> memref<128xi32, #tpu.memory_space<vmem>>
    %dma_wait3A_324 = arith.constant 0 : i32
    %dma_wait3A_325 = arith.constant 0 : i32
    %dma_wait3A_326 = tpu.memref_slice %arg3[%dma_wait3A_324, %dma_wait3A_325] : memref<2600000x32xf32, #tpu.memory_space<hbm>> -> memref<2600000x32xf32, #tpu.memory_space<hbm>>
    tpu.wait_indirect_dma semaphore(%arg7 : memref<!tpu.dma_semaphore, #tpu.memory_space<semaphore_mem>>) src(%dma_wait3A_326 : memref<2600000x32xf32, #tpu.memory_space<hbm>>) dst(%dma_wait3A_321 : memref<128x32xf32, #tpu.memory_space<vmem>>)
    %dma_wait3A_327 = arith.constant 1792 : i32
    %dma_wait3A_328 = arith.constant 0 : i32
    %dma_wait3A_329 = tpu.memref_slice %arg6[%dma_wait3A_327, %dma_wait3A_328] : memref<3328x32xf32, #tpu.memory_space<vmem>> -> memref<128x32xf32, #tpu.memory_space<vmem>>
    %dma_wait3A_330 = arith.constant 1792 : i32
    %dma_wait3A_331 = tpu.memref_slice %arg5[%dma_wait3A_330] : memref<3328xi32, #tpu.memory_space<vmem>> -> memref<128xi32, #tpu.memory_space<vmem>>
    %dma_wait3A_332 = arith.constant 0 : i32
    %dma_wait3A_333 = arith.constant 0 : i32
    %dma_wait3A_334 = tpu.memref_slice %arg3[%dma_wait3A_332, %dma_wait3A_333] : memref<2600000x32xf32, #tpu.memory_space<hbm>> -> memref<2600000x32xf32, #tpu.memory_space<hbm>>
    tpu.wait_indirect_dma semaphore(%arg7 : memref<!tpu.dma_semaphore, #tpu.memory_space<semaphore_mem>>) src(%dma_wait3A_334 : memref<2600000x32xf32, #tpu.memory_space<hbm>>) dst(%dma_wait3A_329 : memref<128x32xf32, #tpu.memory_space<vmem>>)
    %dma_wait3A_335 = arith.constant 1920 : i32
    %dma_wait3A_336 = arith.constant 0 : i32
    %dma_wait3A_337 = tpu.memref_slice %arg6[%dma_wait3A_335, %dma_wait3A_336] : memref<3328x32xf32, #tpu.memory_space<vmem>> -> memref<128x32xf32, #tpu.memory_space<vmem>>
    %dma_wait3A_338 = arith.constant 1920 : i32
    %dma_wait3A_339 = tpu.memref_slice %arg5[%dma_wait3A_338] : memref<3328xi32, #tpu.memory_space<vmem>> -> memref<128xi32, #tpu.memory_space<vmem>>
    %dma_wait3A_340 = arith.constant 0 : i32
    %dma_wait3A_341 = arith.constant 0 : i32
    %dma_wait3A_342 = tpu.memref_slice %arg3[%dma_wait3A_340, %dma_wait3A_341] : memref<2600000x32xf32, #tpu.memory_space<hbm>> -> memref<2600000x32xf32, #tpu.memory_space<hbm>>
    tpu.wait_indirect_dma semaphore(%arg7 : memref<!tpu.dma_semaphore, #tpu.memory_space<semaphore_mem>>) src(%dma_wait3A_342 : memref<2600000x32xf32, #tpu.memory_space<hbm>>) dst(%dma_wait3A_337 : memref<128x32xf32, #tpu.memory_space<vmem>>)
    %dma_wait3A_343 = arith.constant 2048 : i32
    %dma_wait3A_344 = arith.constant 0 : i32
    %dma_wait3A_345 = tpu.memref_slice %arg6[%dma_wait3A_343, %dma_wait3A_344] : memref<3328x32xf32, #tpu.memory_space<vmem>> -> memref<128x32xf32, #tpu.memory_space<vmem>>
    %dma_wait3A_346 = arith.constant 2048 : i32
    %dma_wait3A_347 = tpu.memref_slice %arg5[%dma_wait3A_346] : memref<3328xi32, #tpu.memory_space<vmem>> -> memref<128xi32, #tpu.memory_space<vmem>>
    %dma_wait3A_348 = arith.constant 0 : i32
    %dma_wait3A_349 = arith.constant 0 : i32
    %dma_wait3A_350 = tpu.memref_slice %arg3[%dma_wait3A_348, %dma_wait3A_349] : memref<2600000x32xf32, #tpu.memory_space<hbm>> -> memref<2600000x32xf32, #tpu.memory_space<hbm>>
    tpu.wait_indirect_dma semaphore(%arg7 : memref<!tpu.dma_semaphore, #tpu.memory_space<semaphore_mem>>) src(%dma_wait3A_350 : memref<2600000x32xf32, #tpu.memory_space<hbm>>) dst(%dma_wait3A_345 : memref<128x32xf32, #tpu.memory_space<vmem>>)
    %dma_wait3A_351 = arith.constant 2176 : i32
    %dma_wait3A_352 = arith.constant 0 : i32
    %dma_wait3A_353 = tpu.memref_slice %arg6[%dma_wait3A_351, %dma_wait3A_352] : memref<3328x32xf32, #tpu.memory_space<vmem>> -> memref<128x32xf32, #tpu.memory_space<vmem>>
    %dma_wait3A_354 = arith.constant 2176 : i32
    %dma_wait3A_355 = tpu.memref_slice %arg5[%dma_wait3A_354] : memref<3328xi32, #tpu.memory_space<vmem>> -> memref<128xi32, #tpu.memory_space<vmem>>
    %dma_wait3A_356 = arith.constant 0 : i32
    %dma_wait3A_357 = arith.constant 0 : i32
    %dma_wait3A_358 = tpu.memref_slice %arg3[%dma_wait3A_356, %dma_wait3A_357] : memref<2600000x32xf32, #tpu.memory_space<hbm>> -> memref<2600000x32xf32, #tpu.memory_space<hbm>>
    tpu.wait_indirect_dma semaphore(%arg7 : memref<!tpu.dma_semaphore, #tpu.memory_space<semaphore_mem>>) src(%dma_wait3A_358 : memref<2600000x32xf32, #tpu.memory_space<hbm>>) dst(%dma_wait3A_353 : memref<128x32xf32, #tpu.memory_space<vmem>>)
    %dma_wait3A_359 = arith.constant 2304 : i32
    %dma_wait3A_360 = arith.constant 0 : i32
    %dma_wait3A_361 = tpu.memref_slice %arg6[%dma_wait3A_359, %dma_wait3A_360] : memref<3328x32xf32, #tpu.memory_space<vmem>> -> memref<128x32xf32, #tpu.memory_space<vmem>>
    %dma_wait3A_362 = arith.constant 2304 : i32
    %dma_wait3A_363 = tpu.memref_slice %arg5[%dma_wait3A_362] : memref<3328xi32, #tpu.memory_space<vmem>> -> memref<128xi32, #tpu.memory_space<vmem>>
    %dma_wait3A_364 = arith.constant 0 : i32
    %dma_wait3A_365 = arith.constant 0 : i32
    %dma_wait3A_366 = tpu.memref_slice %arg3[%dma_wait3A_364, %dma_wait3A_365] : memref<2600000x32xf32, #tpu.memory_space<hbm>> -> memref<2600000x32xf32, #tpu.memory_space<hbm>>
    tpu.wait_indirect_dma semaphore(%arg7 : memref<!tpu.dma_semaphore, #tpu.memory_space<semaphore_mem>>) src(%dma_wait3A_366 : memref<2600000x32xf32, #tpu.memory_space<hbm>>) dst(%dma_wait3A_361 : memref<128x32xf32, #tpu.memory_space<vmem>>)
    %dma_wait3A_367 = arith.constant 2432 : i32
    %dma_wait3A_368 = arith.constant 0 : i32
    %dma_wait3A_369 = tpu.memref_slice %arg6[%dma_wait3A_367, %dma_wait3A_368] : memref<3328x32xf32, #tpu.memory_space<vmem>> -> memref<128x32xf32, #tpu.memory_space<vmem>>
    %dma_wait3A_370 = arith.constant 2432 : i32
    %dma_wait3A_371 = tpu.memref_slice %arg5[%dma_wait3A_370] : memref<3328xi32, #tpu.memory_space<vmem>> -> memref<128xi32, #tpu.memory_space<vmem>>
    %dma_wait3A_372 = arith.constant 0 : i32
    %dma_wait3A_373 = arith.constant 0 : i32
    %dma_wait3A_374 = tpu.memref_slice %arg3[%dma_wait3A_372, %dma_wait3A_373] : memref<2600000x32xf32, #tpu.memory_space<hbm>> -> memref<2600000x32xf32, #tpu.memory_space<hbm>>
    tpu.wait_indirect_dma semaphore(%arg7 : memref<!tpu.dma_semaphore, #tpu.memory_space<semaphore_mem>>) src(%dma_wait3A_374 : memref<2600000x32xf32, #tpu.memory_space<hbm>>) dst(%dma_wait3A_369 : memref<128x32xf32, #tpu.memory_space<vmem>>)
    %dma_wait3A_375 = arith.constant 2560 : i32
    %dma_wait3A_376 = arith.constant 0 : i32
    %dma_wait3A_377 = tpu.memref_slice %arg6[%dma_wait3A_375, %dma_wait3A_376] : memref<3328x32xf32, #tpu.memory_space<vmem>> -> memref<128x32xf32, #tpu.memory_space<vmem>>
    %dma_wait3A_378 = arith.constant 2560 : i32
    %dma_wait3A_379 = tpu.memref_slice %arg5[%dma_wait3A_378] : memref<3328xi32, #tpu.memory_space<vmem>> -> memref<128xi32, #tpu.memory_space<vmem>>
    %dma_wait3A_380 = arith.constant 0 : i32
    %dma_wait3A_381 = arith.constant 0 : i32
    %dma_wait3A_382 = tpu.memref_slice %arg3[%dma_wait3A_380, %dma_wait3A_381] : memref<2600000x32xf32, #tpu.memory_space<hbm>> -> memref<2600000x32xf32, #tpu.memory_space<hbm>>
    tpu.wait_indirect_dma semaphore(%arg7 : memref<!tpu.dma_semaphore, #tpu.memory_space<semaphore_mem>>) src(%dma_wait3A_382 : memref<2600000x32xf32, #tpu.memory_space<hbm>>) dst(%dma_wait3A_377 : memref<128x32xf32, #tpu.memory_space<vmem>>)
    %dma_wait3A_383 = arith.constant 2688 : i32
    %dma_wait3A_384 = arith.constant 0 : i32
    %dma_wait3A_385 = tpu.memref_slice %arg6[%dma_wait3A_383, %dma_wait3A_384] : memref<3328x32xf32, #tpu.memory_space<vmem>> -> memref<128x32xf32, #tpu.memory_space<vmem>>
    %dma_wait3A_386 = arith.constant 2688 : i32
    %dma_wait3A_387 = tpu.memref_slice %arg5[%dma_wait3A_386] : memref<3328xi32, #tpu.memory_space<vmem>> -> memref<128xi32, #tpu.memory_space<vmem>>
    %dma_wait3A_388 = arith.constant 0 : i32
    %dma_wait3A_389 = arith.constant 0 : i32
    %dma_wait3A_390 = tpu.memref_slice %arg3[%dma_wait3A_388, %dma_wait3A_389] : memref<2600000x32xf32, #tpu.memory_space<hbm>> -> memref<2600000x32xf32, #tpu.memory_space<hbm>>
    tpu.wait_indirect_dma semaphore(%arg7 : memref<!tpu.dma_semaphore, #tpu.memory_space<semaphore_mem>>) src(%dma_wait3A_390 : memref<2600000x32xf32, #tpu.memory_space<hbm>>) dst(%dma_wait3A_385 : memref<128x32xf32, #tpu.memory_space<vmem>>)
    %dma_wait3A_391 = arith.constant 2816 : i32
    %dma_wait3A_392 = arith.constant 0 : i32
    %dma_wait3A_393 = tpu.memref_slice %arg6[%dma_wait3A_391, %dma_wait3A_392] : memref<3328x32xf32, #tpu.memory_space<vmem>> -> memref<128x32xf32, #tpu.memory_space<vmem>>
    %dma_wait3A_394 = arith.constant 2816 : i32
    %dma_wait3A_395 = tpu.memref_slice %arg5[%dma_wait3A_394] : memref<3328xi32, #tpu.memory_space<vmem>> -> memref<128xi32, #tpu.memory_space<vmem>>
    %dma_wait3A_396 = arith.constant 0 : i32
    %dma_wait3A_397 = arith.constant 0 : i32
    %dma_wait3A_398 = tpu.memref_slice %arg3[%dma_wait3A_396, %dma_wait3A_397] : memref<2600000x32xf32, #tpu.memory_space<hbm>> -> memref<2600000x32xf32, #tpu.memory_space<hbm>>
    tpu.wait_indirect_dma semaphore(%arg7 : memref<!tpu.dma_semaphore, #tpu.memory_space<semaphore_mem>>) src(%dma_wait3A_398 : memref<2600000x32xf32, #tpu.memory_space<hbm>>) dst(%dma_wait3A_393 : memref<128x32xf32, #tpu.memory_space<vmem>>)
    %dma_wait3A_399 = arith.constant 2944 : i32
    %dma_wait3A_400 = arith.constant 0 : i32
    %dma_wait3A_401 = tpu.memref_slice %arg6[%dma_wait3A_399, %dma_wait3A_400] : memref<3328x32xf32, #tpu.memory_space<vmem>> -> memref<128x32xf32, #tpu.memory_space<vmem>>
    %dma_wait3A_402 = arith.constant 2944 : i32
    %dma_wait3A_403 = tpu.memref_slice %arg5[%dma_wait3A_402] : memref<3328xi32, #tpu.memory_space<vmem>> -> memref<128xi32, #tpu.memory_space<vmem>>
    %dma_wait3A_404 = arith.constant 0 : i32
    %dma_wait3A_405 = arith.constant 0 : i32
    %dma_wait3A_406 = tpu.memref_slice %arg3[%dma_wait3A_404, %dma_wait3A_405] : memref<2600000x32xf32, #tpu.memory_space<hbm>> -> memref<2600000x32xf32, #tpu.memory_space<hbm>>
    tpu.wait_indirect_dma semaphore(%arg7 : memref<!tpu.dma_semaphore, #tpu.memory_space<semaphore_mem>>) src(%dma_wait3A_406 : memref<2600000x32xf32, #tpu.memory_space<hbm>>) dst(%dma_wait3A_401 : memref<128x32xf32, #tpu.memory_space<vmem>>)
    %dma_wait3A_407 = arith.constant 3072 : i32
    %dma_wait3A_408 = arith.constant 0 : i32
    %dma_wait3A_409 = tpu.memref_slice %arg6[%dma_wait3A_407, %dma_wait3A_408] : memref<3328x32xf32, #tpu.memory_space<vmem>> -> memref<128x32xf32, #tpu.memory_space<vmem>>
    %dma_wait3A_410 = arith.constant 3072 : i32
    %dma_wait3A_411 = tpu.memref_slice %arg5[%dma_wait3A_410] : memref<3328xi32, #tpu.memory_space<vmem>> -> memref<128xi32, #tpu.memory_space<vmem>>
    %dma_wait3A_412 = arith.constant 0 : i32
    %dma_wait3A_413 = arith.constant 0 : i32
    %dma_wait3A_414 = tpu.memref_slice %arg3[%dma_wait3A_412, %dma_wait3A_413] : memref<2600000x32xf32, #tpu.memory_space<hbm>> -> memref<2600000x32xf32, #tpu.memory_space<hbm>>
    tpu.wait_indirect_dma semaphore(%arg7 : memref<!tpu.dma_semaphore, #tpu.memory_space<semaphore_mem>>) src(%dma_wait3A_414 : memref<2600000x32xf32, #tpu.memory_space<hbm>>) dst(%dma_wait3A_409 : memref<128x32xf32, #tpu.memory_space<vmem>>)
    %dma_wait3A_415 = arith.constant 3200 : i32
    %dma_wait3A_416 = arith.constant 0 : i32
    %dma_wait3A_417 = tpu.memref_slice %arg6[%dma_wait3A_415, %dma_wait3A_416] : memref<3328x32xf32, #tpu.memory_space<vmem>> -> memref<128x32xf32, #tpu.memory_space<vmem>>
    %dma_wait3A_418 = arith.constant 3200 : i32
    %dma_wait3A_419 = tpu.memref_slice %arg5[%dma_wait3A_418] : memref<3328xi32, #tpu.memory_space<vmem>> -> memref<128xi32, #tpu.memory_space<vmem>>
    %dma_wait3A_420 = arith.constant 0 : i32
    %dma_wait3A_421 = arith.constant 0 : i32
    %dma_wait3A_422 = tpu.memref_slice %arg3[%dma_wait3A_420, %dma_wait3A_421] : memref<2600000x32xf32, #tpu.memory_space<hbm>> -> memref<2600000x32xf32, #tpu.memory_space<hbm>>
    tpu.wait_indirect_dma semaphore(%arg7 : memref<!tpu.dma_semaphore, #tpu.memory_space<semaphore_mem>>) src(%dma_wait3A_422 : memref<2600000x32xf32, #tpu.memory_space<hbm>>) dst(%dma_wait3A_417 : memref<128x32xf32, #tpu.memory_space<vmem>>)
    "tpu.region"() ({
      %run_scoped3A = tpu.sem_alloc : memref<!tpu.dma_semaphore, #tpu.memory_space<semaphore_mem>>
      %dma_start3A_423 = arith.constant 0 : i32
      %dma_start3A_424 = tpu.memref_slice %arg4[%mul3A_2, %dma_start3A_423] : memref<106496x32xf32, #tpu.memory_space<hbm>> -> memref<3328x32xf32, #tpu.memory_space<hbm>>
      %dma_start3A_425 = arith.constant 0 : i32
      %dma_start3A_426 = tpu.memref_slice %arg4[%mul3A_2, %dma_start3A_425] : memref<106496x32xf32, #tpu.memory_space<hbm>> -> memref<3328x32xf32, #tpu.memory_space<hbm>>
      tpu.enqueue_dma source(%arg6 : memref<3328x32xf32, #tpu.memory_space<vmem>>) target(%dma_start3A_426 : memref<3328x32xf32, #tpu.memory_space<hbm>>) target_semaphore(%run_scoped3A : memref<!tpu.dma_semaphore, #tpu.memory_space<semaphore_mem>>)
      %dma_wait3A_427 = arith.constant 0 : i32
      %dma_wait3A_428 = tpu.memref_slice %arg4[%mul3A_2, %dma_wait3A_427] : memref<106496x32xf32, #tpu.memory_space<hbm>> -> memref<3328x32xf32, #tpu.memory_space<hbm>>
      %dma_wait3A_429 = arith.constant 0 : i32
      %dma_wait3A_430 = tpu.memref_slice %arg4[%mul3A_2, %dma_wait3A_429] : memref<106496x32xf32, #tpu.memory_space<hbm>> -> memref<3328x32xf32, #tpu.memory_space<hbm>>
      tpu.wait_dma2 semaphore(%run_scoped3A : memref<!tpu.dma_semaphore, #tpu.memory_space<semaphore_mem>>) src(%arg6 : memref<3328x32xf32, #tpu.memory_space<vmem>>) dst(%dma_wait3A_430 : memref<3328x32xf32, #tpu.memory_space<hbm>>)
      tpu.yield
    }) : () -> ()
    return
  }
}

module attributes {stable_mosaic.version = 14 : i64} {
  func.func @body(%arg0: memref<4096x832xf32, #tpu.memory_space<vmem>>, %arg1: memref<1x832xf32, #tpu.memory_space<vmem>>, %arg2: memref<1x832xf32, #tpu.memory_space<vmem>>, %arg3: memref<256x832xf32, #tpu.memory_space<vmem>>, %arg4: memref<1x256xf32, #tpu.memory_space<vmem>>, %arg5: memref<128x256xf32, #tpu.memory_space<vmem>>, %arg6: memref<1x128xf32, #tpu.memory_space<vmem>>, %arg7: memref<8x128xf32, #tpu.memory_space<vmem>>, %arg8: memref<1xf32, #tpu.memory_space<smem>>, %arg9: memref<4096x8xf32, #tpu.memory_space<vmem>>) attributes {dimension_semantics = [], scalar_prefetch = 0 : i64, scratch_operands = 0 : i64, tpu.core_type = #tpu.core_type<tc>} {
    %get3A = arith.constant 0 : index
    %get3A_0 = arith.constant 0 : index
    %get3A_1 = vector.load %arg0[%get3A, %get3A_0] : memref<4096x832xf32, #tpu.memory_space<vmem>>, vector<4096x832xf32>
    %reduce_sum3A = arith.constant dense<0.000000e+00> : vector<832xf32>
    %reduce_sum3A_2 = vector.multi_reduction <add>, %get3A_1, %reduce_sum3A [0] : vector<4096x832xf32> to vector<832xf32>
    %broadcast_in_dim3A = vector.shape_cast %reduce_sum3A_2 : vector<832xf32> to vector<1x832xf32>
    %mul3A = arith.constant 2.44140625E-4 : f32
    %mul3A_3 = vector.broadcast %mul3A : f32 to vector<1x832xf32>
    %mul3A_4 = arith.mulf %broadcast_in_dim3A, %mul3A_3 : vector<1x832xf32>
    %mul3A_5 = arith.mulf %get3A_1, %get3A_1 : vector<4096x832xf32>
    %reduce_sum3A_6 = arith.constant dense<0.000000e+00> : vector<832xf32>
    %reduce_sum3A_7 = vector.multi_reduction <add>, %mul3A_5, %reduce_sum3A_6 [0] : vector<4096x832xf32> to vector<832xf32>
    %broadcast_in_dim3A_8 = vector.shape_cast %reduce_sum3A_7 : vector<832xf32> to vector<1x832xf32>
    %mul3A_9 = arith.constant 2.44140625E-4 : f32
    %mul3A_10 = vector.broadcast %mul3A_9 : f32 to vector<1x832xf32>
    %mul3A_11 = arith.mulf %broadcast_in_dim3A_8, %mul3A_10 : vector<1x832xf32>
    %mul3A_12 = arith.mulf %mul3A_4, %mul3A_4 : vector<1x832xf32>
    %sub3A = arith.subf %mul3A_11, %mul3A_12 : vector<1x832xf32>
    %get3A_13 = arith.constant 0 : index
    %get3A_14 = arith.constant 0 : index
    %get3A_15 = vector.load %arg1[%get3A_13, %get3A_14] : memref<1x832xf32, #tpu.memory_space<vmem>>, vector<1x832xf32>
    %add3A = arith.constant 9.99999974E-6 : f32
    %add3A_16 = vector.broadcast %add3A : f32 to vector<1x832xf32>
    %add3A_17 = arith.addf %sub3A, %add3A_16 : vector<1x832xf32>
    %rsqrt3A = math.rsqrt %add3A_17 : vector<1x832xf32>
    %mul3A_18 = arith.mulf %get3A_15, %rsqrt3A : vector<1x832xf32>
    %get3A_19 = arith.constant 0 : index
    %get3A_20 = arith.constant 0 : index
    %get3A_21 = vector.load %arg2[%get3A_19, %get3A_20] : memref<1x832xf32, #tpu.memory_space<vmem>>, vector<1x832xf32>
    %mul3A_22 = arith.mulf %mul3A_4, %mul3A_18 : vector<1x832xf32>
    %sub3A_23 = arith.subf %get3A_21, %mul3A_22 : vector<1x832xf32>
    %mul3A_24 = vector.broadcast %mul3A_18 : vector<1x832xf32> to vector<4096x832xf32>
    %mul3A_25 = arith.mulf %get3A_1, %mul3A_24 : vector<4096x832xf32>
    %add3A_26 = vector.broadcast %sub3A_23 : vector<1x832xf32> to vector<4096x832xf32>
    %add3A_27 = arith.addf %mul3A_25, %add3A_26 : vector<4096x832xf32>
    %get3A_28 = arith.constant 0 : index
    %get3A_29 = arith.constant 0 : index
    %get3A_30 = vector.load %arg3[%get3A_28, %get3A_29] : memref<256x832xf32, #tpu.memory_space<vmem>>, vector<256x832xf32>
    %dot_general3A = arith.constant dense<0.000000e+00> : vector<4096x256xf32>
    %dot_general3A_31 = tpu.matmul %add3A_27, %get3A_30, %dot_general3A {dimension_numbers = #tpu.dot_dimension_numbers<[1], [1], [0], [0], [0, 0, 1, 0], [], []>, transpose_lhs_hint = false} : vector<4096x832xf32>, vector<256x832xf32>, vector<4096x256xf32> -> vector<4096x256xf32>
    %get3A_32 = arith.constant 0 : index
    %get3A_33 = arith.constant 0 : index
    %get3A_34 = vector.load %arg4[%get3A_32, %get3A_33] : memref<1x256xf32, #tpu.memory_space<vmem>>, vector<1x256xf32>
    %add3A_35 = vector.broadcast %get3A_34 : vector<1x256xf32> to vector<4096x256xf32>
    %add3A_36 = arith.addf %dot_general3A_31, %add3A_35 : vector<4096x256xf32>
    %max3A = arith.constant 0.000000e+00 : f32
    %max3A_37 = vector.broadcast %max3A : f32 to vector<4096x256xf32>
    %max3A_38 = arith.maximumf %add3A_36, %max3A_37 : vector<4096x256xf32>
    %get3A_39 = arith.constant 0 : index
    %get3A_40 = arith.constant 0 : index
    %get3A_41 = vector.load %arg5[%get3A_39, %get3A_40] : memref<128x256xf32, #tpu.memory_space<vmem>>, vector<128x256xf32>
    %dot_general3A_42 = arith.constant dense<0.000000e+00> : vector<4096x128xf32>
    %dot_general3A_43 = tpu.matmul %max3A_38, %get3A_41, %dot_general3A_42 {dimension_numbers = #tpu.dot_dimension_numbers<[1], [1], [0], [0], [0, 0, 1, 0], [], []>, transpose_lhs_hint = false} : vector<4096x256xf32>, vector<128x256xf32>, vector<4096x128xf32> -> vector<4096x128xf32>
    %get3A_44 = arith.constant 0 : index
    %get3A_45 = arith.constant 0 : index
    %get3A_46 = vector.load %arg6[%get3A_44, %get3A_45] : memref<1x128xf32, #tpu.memory_space<vmem>>, vector<1x128xf32>
    %add3A_47 = vector.broadcast %get3A_46 : vector<1x128xf32> to vector<4096x128xf32>
    %add3A_48 = arith.addf %dot_general3A_43, %add3A_47 : vector<4096x128xf32>
    %max3A_49 = arith.constant 0.000000e+00 : f32
    %max3A_50 = vector.broadcast %max3A_49 : f32 to vector<4096x128xf32>
    %max3A_51 = arith.maximumf %add3A_48, %max3A_50 : vector<4096x128xf32>
    %get3A_52 = arith.constant 0 : index
    %get3A_53 = arith.constant 0 : index
    %get3A_54 = vector.load %arg7[%get3A_52, %get3A_53] : memref<8x128xf32, #tpu.memory_space<vmem>>, vector<8x128xf32>
    %dot_general3A_55 = arith.constant dense<0.000000e+00> : vector<4096x8xf32>
    %dot_general3A_56 = tpu.matmul %max3A_51, %get3A_54, %dot_general3A_55 {dimension_numbers = #tpu.dot_dimension_numbers<[1], [1], [0], [0], [0, 0, 1, 0], [], []>, transpose_lhs_hint = false} : vector<4096x128xf32>, vector<8x128xf32>, vector<4096x8xf32> -> vector<4096x8xf32>
    %get3A_57 = arith.constant 0 : index
    %get3A_58 = memref.load %arg8[%get3A_57] : memref<1xf32, #tpu.memory_space<smem>>
    %add3A_59 = vector.broadcast %get3A_58 : f32 to vector<4096x8xf32>
    %add3A_60 = arith.addf %dot_general3A_56, %add3A_59 : vector<4096x8xf32>
    %logistic3A = arith.negf %add3A_60 : vector<4096x8xf32>
    %logistic3A_61 = math.exp %logistic3A : vector<4096x8xf32>
    %logistic3A_62 = arith.constant 1.000000e+00 : f32
    %logistic3A_63 = vector.broadcast %logistic3A_62 : f32 to vector<4096x8xf32>
    %logistic3A_64 = arith.addf %logistic3A_63, %logistic3A_61 : vector<4096x8xf32>
    %logistic3A_65 = arith.divf %logistic3A_63, %logistic3A_64 : vector<4096x8xf32>
    %swap3A = arith.constant 0 : index
    %swap3A_66 = arith.constant 0 : index
    %swap3A_67 = vector.load %arg9[%swap3A, %swap3A_66] : memref<4096x8xf32, #tpu.memory_space<vmem>>, vector<4096x8xf32>
    tpu.vector_store %arg9[%swap3A, %swap3A_66], %logistic3A_65 {strides = array<i32>} : memref<4096x8xf32, #tpu.memory_space<vmem>>, vector<4096x8xf32>,
    return
  }
}

</mosaic_0001>

<sc_bundles>
// kernel: kernel.4.cloned.1.call-start
scs
__scs_entry_jumppad:
0x0: {  	(pc) =	sbr.rel $0x88, $3  }
0x1: {  	(tag) =	ssettag $0x0;
	lr =	simm.s32 $0x1  }
0x2: {  	[smem:$0x3F97] =	sst lr;
	_ =	strace $0xD0000000  }
0x3: {  	_ = 	snop  }
0x4: {  	_ = 	snop  }
0x5: {  	_ = 	snop  }
0x6: {  	_ = 	snop  }
0x7: {  	_ = 	snop  }
__scs_overlays_trampoline_lowered:
0x8: {  	[smem:$0x3FA6] =	sst s0  }
0x9: {  	[smem:$0x3FA7] =	sst s1  }
0xa: {  	[smem:$0x3FA8] =	sst s2  }
0xb: {  	[smem:$0x3FA9] =	sst s3  }
0xc: {  	[smem:$0x3FAA] =	sst s4  }
0xd: {  	[smem:$0x3FAB] =	sst s5  }
0xe: {  	[smem:$0x3FAC] =	sst s6  }
0xf: {  	[smem:$0x3FAD] =	sst s7  }
0x10: {  	[smem:$0x3FAE] =	sst s8  }
0x11: {  	[smem:$0x3FAF] =	sst s9;
	s0 =	simm.s32 @!p0 $0x0  }
0x12: {  	s1 =	sld [smem:$0x3F95];
	s0 =	simm.s32 @p0 $0x1  }
0x13: {  	[smem:$0x3FB0] =	sst s0;
	s0 =	simm.s32 @!p1 $0x0  }
0x14: {  	s2 =	sld [smem:$0x3F94];
	s0 =	simm.s32 @p1 $0x1  }
0x15: {  	[smem:$0x3FB1] =	sst s0;
	s0 =	simm.s32 @!p2 $0x0  }
0x16: {  	s3 =	sld [smem:$0x3FDB];
	s0 =	simm.s32 @p2 $0x1  }
0x17: {  	s4 =	simm.s32 $0x1BF5;
	[smem:$0x3FB3] =	sst s0  }
0x18: {  	s0 =	sld [smem:$0x3F96];
	_ =	swait.ge [sflag:s4], $0x0  }
0x19: {  	s7 =	sld [smem:$0x3F97]  }
0x1a: {  	s8 =	sadd.s32 $0xFFFFE003, lr  }
0x1b: {  	s9 =	sadd.s32 $0xFFFFFEF7, lr;
	s5 =	simm.s32 $0xFFFFFFFF;
	p2 =	slt.u32 s8, $0xFFFFF086  }
0x1c: {  	p1 =	slt.u32 s9, $0xF7A;
	s5 =	simm.s32 @!p2 $0x0  }
0x1d: {  	s5 =	simm.s32 @p1 $0x1;
	p0 =	seq.s32 s7, s2  }
0x1e: {  	s7 =	smul.u32 @!p0 $0xF7A, s2;
	p2 =	seq.s32 @!p0 s5, $0x0  }
0x1f: {  	s9 =	smul.u32 $0xF7A, s1;
	s8 =	simm.s32 @!p0 $0x1BF5;
	p2 =	por !p2, p0  }
0x20: {  	[sflag:s8] =	ssyncset.s32 @!p0 $0xFFFFF086;
	s6 =	sadd.s32 @!p0 s3, s7;
	s7 =	simm.s32 @!p0 $0x108  }
0x21: {  	s3 =	sadd.s32 s3, s9;
	s6 =	sadd.s32 @!p0 $0x88, s6;
	s7 =	simm.s32 @p2 $0x1082  }
0x22: {  	[simem:s7], [sflag:s8] =	dma.local @!p0 [hbm:s6], $0xF7A  }
0x23: {  	s9 =	sor.u32 $0xD0000000, s2;
	s6 =	simm.s32 $0x108;
	_ =	swait.ge @!p0 [sflag:s8], $0x0  }
0x24: {  	s3 =	sadd.s32 $0x88, s3;
	s6 =	simm.s32 @!p1 $0x1082;
	[sflag:s4] =	ssyncset.s32 $0xFFFFF086  }
0x25: {  	[simem:s6], [sflag:s4] =	dma.local [hbm:s3], $0xF7A  }
0x26: {  	[smem:$0x3F97] =	sst s1;
	(tag) =	ssettag s2;
	_ =	strace s9  }
0x27: {  	s1 =	sld [smem:$0x3FA7]  }
0x28: {  	s2 =	sld [smem:$0x3FA8]  }
0x29: {  	s4 =	sld [smem:$0x3FAA]  }
0x2a: {  	p0 =	seq.s32 s5, $0x0;
	s5 =	sld [smem:$0x3FAB]  }
0x2b: {  	s6 =	sld [smem:$0x3FAC]  }
0x2c: {  	s7 =	sld [smem:$0x3FAD]  }
0x2d: {  	s3 =	simm.s32 $0x108;
	s8 =	sld [smem:$0x3FAE]  }
0x2e: {  	s3 =	simm.s32 @!p0 $0x1082;
	s9 =	sld [smem:$0x3FAF]  }
0x2f: {  	lr =	sadd.s32 s0, s3;
	s0 =	sld [smem:$0x3FA6]  }
0x30: {  	s3 =	sld [smem:$0x3FA9]  }
0x31: {  	[smem:$0x3FB2] =	sst s10  }
0x32: {  	s10 =	sld [smem:$0x3FB0];
	_ =	sdelay $0x3  }
0x33: {  	p0 =	seq.s32 s10, $0x1;
	s10 =	sld [smem:$0x3FB2];
	_ =	sdelay $0x3  }
0x34: {  	[smem:$0x3FB2] =	sst s10  }
0x35: {  	s10 =	sld [smem:$0x3FB1];
	_ =	sdelay $0x3  }
0x36: {  	p1 =	seq.s32 s10, $0x1;
	s10 =	sld [smem:$0x3FB2];
	_ =	sdelay $0x3  }
0x37: {  	[smem:$0x3FB2] =	sst s10  }
0x38: {  	s10 =	sld [smem:$0x3FB3]  }
0x39: {  	_ = 	snop;
	(pc) =	sbr.ind lr, $3  }
0x3a: {  	_ = 	snop  }
0x3b: {  	_ = 	snop  }
0x3c: {  	p2 =	seq.s32 s10, $0x1;
	s10 =	sld [smem:$0x3FB2]  }
0x3d: {  	_ =	shalt  }
0x3e: {  	_ =	shalt  }
0x3f: {  	_ =	shalt  }
0x40: {  	_ =	shalt  }
0x41: {  	_ =	shalt  }
0x42: {  	_ =	shalt  }
0x43: {  	_ =	shalt  }
0x44: {  	_ =	shalt  }
0x45: {  	_ =	shalt  }
0x46: {  	_ =	shalt  }
0x47: {  	_ =	shalt  }
0x48: {  	_ =	shalt  }
0x49: {  	_ =	shalt  }
0x4a: {  	_ =	shalt  }
0x4b: {  	_ =	shalt  }
0x4c: {  	_ =	shalt  }
0x4d: {  	_ =	shalt  }
0x4e: {  	_ =	shalt  }
0x4f: {  	_ =	shalt  }
0x50: {  	_ =	shalt  }
0x51: {  	_ =	shalt  }
0x52: {  	_ =	shalt  }
0x53: {  	_ =	shalt  }
0x54: {  	_ =	shalt  }
0x55: {  	_ =	shalt  }
0x56: {  	_ =	shalt  }
0x57: {  	_ =	shalt  }
0x58: {  	_ =	shalt  }
0x59: {  	_ =	shalt  }
0x5a: {  	_ =	shalt  }
0x5b: {  	_ =	shalt  }
0x5c: {  	_ =	shalt  }
0x5d: {  	_ =	shalt  }
0x5e: {  	_ =	shalt  }
0x5f: {  	_ =	shalt  }
0x60: {  	_ =	shalt  }
0x61: {  	_ =	shalt  }
0x62: {  	_ =	shalt  }
0x63: {  	_ =	shalt  }
0x64: {  	_ =	shalt  }
0x65: {  	_ =	shalt  }
0x66: {  	_ =	shalt  }
0x67: {  	_ =	shalt  }
0x68: {  	_ =	shalt  }
0x69: {  	_ =	shalt  }
0x6a: {  	_ =	shalt  }
0x6b: {  	_ =	shalt  }
0x6c: {  	_ =	shalt  }
0x6d: {  	_ =	shalt  }
0x6e: {  	_ =	shalt  }
0x6f: {  	_ =	shalt  }
0x70: {  	_ =	shalt  }
0x71: {  	_ =	shalt  }
0x72: {  	_ =	shalt  }
0x73: {  	_ =	shalt  }
0x74: {  	_ =	shalt  }
0x75: {  	_ =	shalt  }
0x76: {  	_ =	shalt  }
0x77: {  	_ =	shalt  }
0x78: {  	_ =	shalt  }
0x79: {  	_ =	shalt  }
0x7a: {  	_ =	shalt  }
0x7b: {  	_ =	shalt  }
0x7c: {  	_ =	shalt  }
0x7d: {  	_ =	shalt  }
0x7e: {  	_ =	shalt  }
0x7f: {  	_ =	shalt  }
0x80: {  	_ =	shalt  }
0x81: {  	_ =	shalt  }
0x82: {  	_ =	shalt  }
0x83: {  	_ =	shalt  }
0x84: {  	_ =	shalt  }
0x85: {  	_ =	shalt  }
0x86: {  	_ =	shalt  }
0x87: {  	_ =	shalt  }
.Lfunc_end0:
.L_simem_size_0:
called_computation_lowered:
.L_overlay_start_0:
0x88: {  	s2 =	sld [smem:$0x3FD9]  }
0x89: {  	s3 =	sld [smem:$0x3FFE];
	_ =	sdelay $0x1  }
0x8a: {  	s1 =	srdreg.scid  }
0x8b: {  	s0 =	sand.u32 $0x1, s1  }
0x8c: {  	s16 =	sshll.u32 s0, $0xA;
	s2 =	sadd.s32 s3, s2  }
0x8d: {  	s2 =	sadd.s32 s2, s16  }
0x8e: {  	[smem:$0x3FBE] =	sst s2  }
0x8f: {  	_ = 	snop  }
0x90: {  	(tm) =	ssettm $0x1  }
0x91: {  	s17 =	sld [smem:$0x3FFB];
	_ =	sdelay $0x3  }
0x92: {  	_ =	strace s17  }
0x93: {  	s2 =	sld [smem:$0x3FFC];
	_ =	sdelay $0x3  }
0x94: {  	_ =	strace s2  }
0x95: {  	s2 =	sld [smem:$0x3FFD];
	_ =	sdelay $0x3  }
0x96: {  	_ =	strace s2  }
0x97: {  	_ =	strace $0x8FFFFFFF  }
0x98: {  	s18 =	sld [smem:$0x3FDB];
	_ =	sdelay $0x1  }
0x99: {  	s19 =	simm.s32 $_scs_section_size  }
0x9a: {  	s4 =	simm.s32 $_size__tile_overlayer_lowered;
	s5 =	simm.s32 $_tile_overlayer_lowered  }
0x9b: {  	s22 =	simm.s32 $0x1BFF;
	s21 =	sshll.u32 s5, $0x1;
	s2 =	sadd.s32 s19, s18  }
0x9c: {  	s6 =	simm.s32 $0x0;
	s20 =	sshll.u32 s4, $0x1;
	s4 =	sadd.s32 s21, s2  }
0x9d: {  	[timem:s6], [sflag:s22] =	dma.local [hbm:s4], s20  }
0x9e: {  	_ =	swait.ge [sflag:s22], s20  }
0x9f: {  	s3 =	ssub.s32 $0x0, s20;
	[sflag:s22] =	ssyncset.done $0x0  }
0xa0: {  	[sflag:s22] =	ssyncadd.s32 s3;
	_ =	sdelay $0x1  }
0xa1: {  	s23 =	simm.s32 $0x1B8B  }
0xa2: {  	_ =	swait.ge [sflag:s23], $0x1  }
0xa3: {  	[sflag:s23] =	ssyncset.done $0x0  }
0xa4: {  	s25 =	simm.s32 $0x1B8E;
	s24 =	sld [smem:$0x3FFE];
	[sflag:s23] =	ssyncadd.s32 $0xFFFFFFFF  }
0xa5: {  	s26 =	simm.s32 $execute0_lowered;
	[smem:$0x3FD2] =	sst s25  }
0xa6: {  	s4 =	sshll.u32 s26, $0x1;
	_ =	strace $0x80000046;
	[dreg:$0x1] =	wrdreg $0xFFFFFFFF  }
0xa7: {  	s28 =	simm.s32 $_size_execute0_lowered;
	s2 =	sadd.s32 s2, s4;
	[dreg:$0x0] =	wrdreg $0x0  }
0xa8: {  	s4 =	sshll.u32 s28, $0x1;
	[dreg:$0x2] =	wrdreg s2  }
0xa9: {  	[dreg:$0x3] =	wrdreg s4  }
0xaa: {  	[dreg:$0x4] =	wrdreg $0xC0  }
0xab: {  	_ =	task [dreg:s6], $0x5FFFF  }
0xac: {  	[dreg:$0x1] =	wrdreg $0xFFFFFFFF  }
0xad: {  	[dreg:$0x0] =	wrdreg $0x60  }
0xae: {  	[dreg:$0x2] =	wrdreg s24  }
0xaf: {  	[dreg:$0x3] =	wrdreg $0x9  }
0xb0: {  	_ =	task.clear_ibuf [dreg:s6], $0x4FFFF;
	_ =	strace $0x90000046  }
0xb1: {  	s29 =	simm.s32 $0x9;
	_ =	strace $0x80000048  }
0xb2: {  	_ =	swait.ge [sflag:s29], $0x1  }
0xb3: {  	[sflag:s29] =	ssyncadd.s32 $0xFFFFFFFF  }
0xb4: {  	_ =	strace $0x90000048  }
0xb5: {  	_ =	sfence  }
0xb6: {  	s30 =	sld [smem:$0x0];
	_ =	sdelay $0x2  }
0xb7: {  	s31 =	sshll.u32 s1, $0xD;
	s1 =	sshrl.u32 s1, $0x2  }
0xb8: {  	s3 =	sand.u32 $0x4000, s31;
	s1 =	sadd.s32 s1, s30  }
0xb9: {  	s0 =	sor.u32 s3, s0;
	s1 =	sshll.u32 s1, $0x11  }
0xba: {  	s0 =	sor.u32 s1, s0  }
0xbb: {  	s0 =	sadd.s32 $0x8F2B, s0  }
0xbc: {  	[sflag:s0] =	ssyncadd.remote.s32 $0x1  }
0xbd: {  	_ =	sfence.sel $0xFFFF  }
0xbe: {  	[dreg:$0x0] =	wrdreg $0xFFFFFFFF;
	(pc) =	sbr.abs _section_cstart, $3  }
0xbf: {  	[dreg:$0x1] =	wrdreg $0xFFFFFFFF  }
0xc0: {  	_ =	task.clear_ibuf [dreg:s6], $0x2FFFF;
	_ =	strace $0x9FFFFFFF  }
0xc1: {  	(tm) =	ssettm $0x7FFFFFFF  }
tec
execute0_lowered:
.L_overlay_start_1:
0x0: {  	(tag) =	ssettag $0x1  }
0x1: {  	s0 =	srdreg.scid;
	s1 =	stileid.u32  }
0x2: {  	s4 =	rddreg [dreg:$0x0];
	s2 =	simm.s32 $0x0;
	s7 =	simm.s32 $0x2  }
0x3: {  	s8 =	simm.s32 $0x80;
	s9 =	simm.s32 $0xD00;
	s17 =	simm.s32 $0x10D00  }
0x4: {  	s18 =	simm.s32 $0x880;
	s19 =	simm.s32 $0x11D00;
	s20 =	simm.s32 $0x900  }
0x5: {  	s21 =	simm.s32 $0x12D00;
	s22 =	simm.s32 $0x980;
	s23 =	simm.s32 $0x13D00  }
0x6: {  	s24 =	simm.s32 $0xA00;
	s25 =	simm.s32 $0x14D00;
	s26 =	simm.s32 $0xA80  }
0x7: {  	s28 =	simm.s32 $0x15D00;
	s29 =	simm.s32 $0xB00;
	s30 =	simm.s32 $0x16D00  }
0x8: {  	s31 =	simm.s32 $0xB80;
	s10 =	simm.s32 $0x18D00;
	s11 =	simm.s32 $0xC80  }
0x9: {  	s12 =	simm.s32 $0x19D00;
	s0 =	sand.u32 $0x1, s0;
	s1 =	sshll.u32 s1, $0x1  }
0xa: {  	s13 =	simm.s32 $0x1;
	s14 =	simm.s32 $0x0;
	s1 =	sor.u32 s0, s1  }
0xb: {  	[smem:$0x7FF] =	sst s2;
	s0 =	ssub.s32 $0x2, s0;
	s3 =	smul.u32 $0x1A0, s1  }
0xc: {  	_ =	strace $0x80000047;
	s1 =	smul.u32 $0x3400, s1;
	s6 =	sshrl.u32 s0, $0x1  }
0xd: {  	s0 =	ssub.s32 s0, s6;
	s5 =	sadd.s32 s3, s4;
	s3 =	sadd.s32 $0x27AD400, s4  }
0xe: {  	s1 =	sadd.s32 s1, s4;
	s6 =	smax.u32 s0, $0x1;
	s0 =	simm.s32 $0xC00  }
0xf: {  	v0 =	vlaneseq.u32;
	s4 =	sadd.s32 $0x1000, s5;
	s5 =	sadd.s32 $0x4400, s1;
	s1 =	simm.s32 $0x17D00  }
.LBB2_1:
0x10: {  	[tilespmem:s2], [sflag:$0x2] =	stream.linear.gather [hbm4b:s4+s2], $0xD00, $0x38;
	[tilespmem:$0x1AD00] =	vst v63  }
0x11: {  	_ =	swait.ge [sflag:s7], $0xD00  }
0x12: {  	[sflag:s7] =	ssyncset.done $0x0  }
0x13: {  	v1 =	vor.u32 s2, v0;
	s16 =	simm.s32 $0x10;
	s15 =	simm.s32 $0x0;
	[sflag:s7] =	ssyncadd.s32 $0xFFFFF300  }
.LBB2_2:
0x14: {  	p0 =	sne.s32 s16, $0xCF0;
	v2 =	vld [tilespmem:s15+$0x0];
	v3 =	vmulhi.u32 $0x4EC4EC4F, v1;
	_ =	sdelay $0x1  }
0x15: {  	v3 =	vshrl.u32 v3, $0x3  }
0x16: {  	v3 =	vmul.u32 $0x1A, v3;
	_ =	sdelay $0x1  }
.Ltmp0:
0x17: {  	vm0 =	vgt.s32 v2, $0x0;
	v1 =	vsub.s32 v1, v3;
	(pc) =	sbr.rel @p0 .LBB2_2-.Ltmp0, $4  }
0x18: {  	v2 =	vnsel vm0, $0x0, v2;
	v1 =	vmul.u32 $0x186A0, v1  }
0x19: {  	v2 =	vmin.u32 v2, $0x1869F  }
0x1a: {  	v2 =	vadd.s32 v1, v2  }
0x1b: {  	v1 =	vor.u32 s16, v0;
	s16 =	sadd.s32 $0x10, s16;
	[tilespmem:s15+$0x0] =	vst v2;
	s15 =	sadd.s32 $0x10, s15  }
0x1c: {  	v2 =	vld [tilespmem:s15+$0x0];
	v3 =	vmulhi.u32 $0x4EC4EC4F, v1;
	_ =	sdelay $0x1  }
0x1d: {  	v3 =	vshrl.u32 v3, $0x3  }
0x1e: {  	v3 =	vmul.u32 $0x1A, v3;
	_ =	sdelay $0x1  }
0x1f: {  	vm0 =	vgt.s32 v2, $0x0;
	v1 =	vsub.s32 v1, v3  }
0x20: {  	v2 =	vnsel vm0, $0x0, v2;
	v1 =	vmul.u32 $0x186A0, v1  }
0x21: {  	v2 =	vmin.u32 v2, $0x1869F  }
0x22: {  	v1 =	vadd.s32 v1, v2  }
0x23: {  	[tilespmem:s15+$0x0] =	vst v1  }
0x24: {  	[tilespmem:s9], [sflag:$0x1] =	stream.indirect.gather [hbm4b:s3+s8], $0x20, s2, s8, $0xb8;
	[tilespmem:$0x1AD00] =	vst v63  }
0x25: {  	s16 =	simm.s32 $0x1D00  }
0x26: {  	[tilespmem:s16], [sflag:$0x1] =	stream.indirect.gather [hbm4b:s3+s8], $0x20, s8, s8, $0xb8;
	[tilespmem:$0x1AD00] =	vst v63  }
0x27: {  	s15 =	simm.s32 $0x100;
	s16 =	simm.s32 $0x2D00  }
0x28: {  	[tilespmem:s16], [sflag:$0x1] =	stream.indirect.gather [hbm4b:s3+s8], $0x20, s15, s8, $0xb8;
	[tilespmem:$0x1AD00] =	vst v63  }
0x29: {  	s15 =	simm.s32 $0x180;
	s16 =	simm.s32 $0x3D00  }
0x2a: {  	[tilespmem:s16], [sflag:$0x1] =	stream.indirect.gather [hbm4b:s3+s8], $0x20, s15, s8, $0xb8;
	[tilespmem:$0x1AD00] =	vst v63  }
0x2b: {  	s15 =	simm.s32 $0x200;
	s16 =	simm.s32 $0x4D00  }
0x2c: {  	[tilespmem:s16], [sflag:$0x1] =	stream.indirect.gather [hbm4b:s3+s8], $0x20, s15, s8, $0xb8;
	[tilespmem:$0x1AD00] =	vst v63  }
0x2d: {  	s15 =	simm.s32 $0x280;
	s16 =	simm.s32 $0x5D00  }
0x2e: {  	[tilespmem:s16], [sflag:$0x1] =	stream.indirect.gather [hbm4b:s3+s8], $0x20, s15, s8, $0xb8;
	[tilespmem:$0x1AD00] =	vst v63  }
0x2f: {  	s15 =	simm.s32 $0x300;
	s16 =	simm.s32 $0x6D00  }
0x30: {  	[tilespmem:s16], [sflag:$0x1] =	stream.indirect.gather [hbm4b:s3+s8], $0x20, s15, s8, $0xb8;
	[tilespmem:$0x1AD00] =	vst v63  }
0x31: {  	s15 =	simm.s32 $0x380;
	s16 =	simm.s32 $0x7D00  }
0x32: {  	[tilespmem:s16], [sflag:$0x1] =	stream.indirect.gather [hbm4b:s3+s8], $0x20, s15, s8, $0xb8;
	[tilespmem:$0x1AD00] =	vst v63  }
0x33: {  	s15 =	simm.s32 $0x400;
	s16 =	simm.s32 $0x8D00  }
0x34: {  	[tilespmem:s16], [sflag:$0x1] =	stream.indirect.gather [hbm4b:s3+s8], $0x20, s15, s8, $0xb8;
	[tilespmem:$0x1AD00] =	vst v63  }
0x35: {  	s15 =	simm.s32 $0x480;
	s16 =	simm.s32 $0x9D00  }
0x36: {  	[tilespmem:s16], [sflag:$0x1] =	stream.indirect.gather [hbm4b:s3+s8], $0x20, s15, s8, $0xb8;
	[tilespmem:$0x1AD00] =	vst v63  }
0x37: {  	s15 =	simm.s32 $0x500;
	s16 =	simm.s32 $0xAD00  }
0x38: {  	[tilespmem:s16], [sflag:$0x1] =	stream.indirect.gather [hbm4b:s3+s8], $0x20, s15, s8, $0xb8;
	[tilespmem:$0x1AD00] =	vst v63  }
0x39: {  	s15 =	simm.s32 $0x580;
	s16 =	simm.s32 $0xBD00  }
0x3a: {  	[tilespmem:s16], [sflag:$0x1] =	stream.indirect.gather [hbm4b:s3+s8], $0x20, s15, s8, $0xb8;
	[tilespmem:$0x1AD00] =	vst v63  }
0x3b: {  	s15 =	simm.s32 $0x600;
	s16 =	simm.s32 $0xCD00  }
0x3c: {  	[tilespmem:s16], [sflag:$0x1] =	stream.indirect.gather [hbm4b:s3+s8], $0x20, s15, s8, $0xb8;
	[tilespmem:$0x1AD00] =	vst v63  }
0x3d: {  	s15 =	simm.s32 $0x680;
	s16 =	simm.s32 $0xDD00  }
0x3e: {  	[tilespmem:s16], [sflag:$0x1] =	stream.indirect.gather [hbm4b:s3+s8], $0x20, s15, s8, $0xb8;
	[tilespmem:$0x1AD00] =	vst v63  }
0x3f: {  	s15 =	simm.s32 $0x700;
	s16 =	simm.s32 $0xED00  }
0x40: {  	[tilespmem:s16], [sflag:$0x1] =	stream.indirect.gather [hbm4b:s3+s8], $0x20, s15, s8, $0xb8;
	[tilespmem:$0x1AD00] =	vst v63  }
0x41: {  	s15 =	simm.s32 $0x780;
	s16 =	simm.s32 $0xFD00  }
0x42: {  	[tilespmem:s16], [sflag:$0x1] =	stream.indirect.gather [hbm4b:s3+s8], $0x20, s15, s8, $0xb8;
	[tilespmem:$0x1AD00] =	vst v63  }
0x43: {  	s16 =	simm.s32 $0x800  }
0x44: {  	[tilespmem:s17], [sflag:$0x1] =	stream.indirect.gather [hbm4b:s3+s8], $0x20, s16, s8, $0xb8;
	[tilespmem:$0x1AD00] =	vst v63  }
0x45: {  	_ = 	snop  }
0x46: {  	[tilespmem:s19], [sflag:$0x1] =	stream.indirect.gather [hbm4b:s3+s8], $0x20, s18, s8, $0xb8;
	[tilespmem:$0x1AD00] =	vst v63  }
0x47: {  	_ = 	snop  }
0x48: {  	[tilespmem:s21], [sflag:$0x1] =	stream.indirect.gather [hbm4b:s3+s8], $0x20, s20, s8, $0xb8;
	[tilespmem:$0x1AD00] =	vst v63  }
0x49: {  	_ = 	snop  }
0x4a: {  	[tilespmem:s23], [sflag:$0x1] =	stream.indirect.gather [hbm4b:s3+s8], $0x20, s22, s8, $0xb8;
	[tilespmem:$0x1AD00] =	vst v63  }
0x4b: {  	_ = 	snop  }
0x4c: {  	[tilespmem:s25], [sflag:$0x1] =	stream.indirect.gather [hbm4b:s3+s8], $0x20, s24, s8, $0xb8;
	[tilespmem:$0x1AD00] =	vst v63  }
0x4d: {  	_ = 	snop  }
0x4e: {  	[tilespmem:s28], [sflag:$0x1] =	stream.indirect.gather [hbm4b:s3+s8], $0x20, s26, s8, $0xb8;
	[tilespmem:$0x1AD00] =	vst v63  }
0x4f: {  	_ = 	snop  }
0x50: {  	[tilespmem:s30], [sflag:$0x1] =	stream.indirect.gather [hbm4b:s3+s8], $0x20, s29, s8, $0xb8;
	[tilespmem:$0x1AD00] =	vst v63  }
0x51: {  	_ = 	snop  }
0x52: {  	[tilespmem:s1], [sflag:$0x1] =	stream.indirect.gather [hbm4b:s3+s8], $0x20, s31, s8, $0xb8;
	[tilespmem:$0x1AD00] =	vst v63  }
0x53: {  	_ = 	snop  }
0x54: {  	[tilespmem:s10], [sflag:$0x1] =	stream.indirect.gather [hbm4b:s3+s8], $0x20, s0, s8, $0xb8;
	[tilespmem:$0x1AD00] =	vst v63  }
0x55: {  	_ = 	snop  }
0x56: {  	[tilespmem:s12], [sflag:$0x1] =	stream.indirect.gather [hbm4b:s3+s8], $0x20, s11, s8, $0xb8;
	[tilespmem:$0x1AD00] =	vst v63  }
0x57: {  	_ =	swait.ge [sflag:s13], $0x1000  }
0x58: {  	[sflag:s13] =	ssyncset.done $0x0  }
0x59: {  	[sflag:s13] =	ssyncadd.s32 $0xFFFFF000  }
0x5a: {  	_ =	swait.ge [sflag:s13], $0x1000  }
0x5b: {  	[sflag:s13] =	ssyncset.done $0x0  }
0x5c: {  	[sflag:s13] =	ssyncadd.s32 $0xFFFFF000  }
0x5d: {  	_ =	swait.ge [sflag:s13], $0x1000  }
0x5e: {  	[sflag:s13] =	ssyncset.done $0x0  }
0x5f: {  	[sflag:s13] =	ssyncadd.s32 $0xFFFFF000  }
0x60: {  	_ =	swait.ge [sflag:s13], $0x1000  }
0x61: {  	[sflag:s13] =	ssyncset.done $0x0  }
0x62: {  	[sflag:s13] =	ssyncadd.s32 $0xFFFFF000  }
0x63: {  	_ =	swait.ge [sflag:s13], $0x1000  }
0x64: {  	[sflag:s13] =	ssyncset.done $0x0  }
0x65: {  	[sflag:s13] =	ssyncadd.s32 $0xFFFFF000  }
0x66: {  	_ =	swait.ge [sflag:s13], $0x1000  }
0x67: {  	[sflag:s13] =	ssyncset.done $0x0  }
0x68: {  	[sflag:s13] =	ssyncadd.s32 $0xFFFFF000  }
0x69: {  	_ =	swait.ge [sflag:s13], $0x1000  }
0x6a: {  	[sflag:s13] =	ssyncset.done $0x0  }
0x6b: {  	[sflag:s13] =	ssyncadd.s32 $0xFFFFF000  }
0x6c: {  	_ =	swait.ge [sflag:s13], $0x1000  }
0x6d: {  	[sflag:s13] =	ssyncset.done $0x0  }
0x6e: {  	[sflag:s13] =	ssyncadd.s32 $0xFFFFF000  }
0x6f: {  	_ =	swait.ge [sflag:s13], $0x1000  }
0x70: {  	[sflag:s13] =	ssyncset.done $0x0  }
0x71: {  	[sflag:s13] =	ssyncadd.s32 $0xFFFFF000  }
0x72: {  	_ =	swait.ge [sflag:s13], $0x1000  }
0x73: {  	[sflag:s13] =	ssyncset.done $0x0  }
0x74: {  	[sflag:s13] =	ssyncadd.s32 $0xFFFFF000  }
0x75: {  	_ =	swait.ge [sflag:s13], $0x1000  }
0x76: {  	[sflag:s13] =	ssyncset.done $0x0  }
0x77: {  	[sflag:s13] =	ssyncadd.s32 $0xFFFFF000  }
0x78: {  	_ =	swait.ge [sflag:s13], $0x1000  }
0x79: {  	[sflag:s13] =	ssyncset.done $0x0  }
0x7a: {  	[sflag:s13] =	ssyncadd.s32 $0xFFFFF000  }
0x7b: {  	_ =	swait.ge [sflag:s13], $0x1000  }
0x7c: {  	[sflag:s13] =	ssyncset.done $0x0  }
0x7d: {  	[sflag:s13] =	ssyncadd.s32 $0xFFFFF000  }
0x7e: {  	_ =	swait.ge [sflag:s13], $0x1000  }
0x7f: {  	[sflag:s13] =	ssyncset.done $0x0  }
0x80: {  	[sflag:s13] =	ssyncadd.s32 $0xFFFFF000  }
0x81: {  	_ =	swait.ge [sflag:s13], $0x1000  }
0x82: {  	[sflag:s13] =	ssyncset.done $0x0  }
0x83: {  	[sflag:s13] =	ssyncadd.s32 $0xFFFFF000  }
0x84: {  	_ =	swait.ge [sflag:s13], $0x1000  }
0x85: {  	[sflag:s13] =	ssyncset.done $0x0  }
0x86: {  	[sflag:s13] =	ssyncadd.s32 $0xFFFFF000  }
0x87: {  	_ =	swait.ge [sflag:s13], $0x1000  }
0x88: {  	[sflag:s13] =	ssyncset.done $0x0  }
0x89: {  	[sflag:s13] =	ssyncadd.s32 $0xFFFFF000  }
0x8a: {  	_ =	swait.ge [sflag:s13], $0x1000  }
0x8b: {  	[sflag:s13] =	ssyncset.done $0x0  }
0x8c: {  	[sflag:s13] =	ssyncadd.s32 $0xFFFFF000  }
0x8d: {  	_ =	swait.ge [sflag:s13], $0x1000  }
0x8e: {  	[sflag:s13] =	ssyncset.done $0x0  }
0x8f: {  	[sflag:s13] =	ssyncadd.s32 $0xFFFFF000  }
0x90: {  	_ =	swait.ge [sflag:s13], $0x1000  }
0x91: {  	[sflag:s13] =	ssyncset.done $0x0  }
0x92: {  	[sflag:s13] =	ssyncadd.s32 $0xFFFFF000  }
0x93: {  	_ =	swait.ge [sflag:s13], $0x1000  }
0x94: {  	[sflag:s13] =	ssyncset.done $0x0  }
0x95: {  	[sflag:s13] =	ssyncadd.s32 $0xFFFFF000  }
0x96: {  	_ =	swait.ge [sflag:s13], $0x1000  }
0x97: {  	[sflag:s13] =	ssyncset.done $0x0  }
0x98: {  	[sflag:s13] =	ssyncadd.s32 $0xFFFFF000  }
0x99: {  	_ =	swait.ge [sflag:s13], $0x1000  }
0x9a: {  	[sflag:s13] =	ssyncset.done $0x0  }
0x9b: {  	[sflag:s13] =	ssyncadd.s32 $0xFFFFF000  }
0x9c: {  	_ =	swait.ge [sflag:s13], $0x1000  }
0x9d: {  	[sflag:s13] =	ssyncset.done $0x0  }
0x9e: {  	[sflag:s13] =	ssyncadd.s32 $0xFFFFF000  }
0x9f: {  	_ =	swait.ge [sflag:s13], $0x1000  }
0xa0: {  	[sflag:s13] =	ssyncset.done $0x0  }
0xa1: {  	[sflag:s13] =	ssyncadd.s32 $0xFFFFF000  }
0xa2: {  	s14 =	sadd.s32 $0x1, s14;
	_ =	swait.ge [sflag:s13], $0x1000  }
0xa3: {  	p0 =	sne.s32 s14, s6;
	[sflag:s13] =	ssyncset.done $0x0  }
.Ltmp1:
0xa4: {  	[sflag:s13] =	ssyncadd.s32 $0xFFFFF000;
	(pc) =	sbr.rel @p0 .LBB2_1-.Ltmp1, $4  }
0xa5: {  	[hbm4b:s5+s2] =	stream.linear.scatter [tilespmem:s9], [sflag:$0x2], $0x1A000, $0x38;
	[tilespmem:$0x1AD00] =	vst v63  }
0xa6: {  	_ =	swait.ge [sflag:s7], $0x1A000  }
0xa7: {  	[sflag:s7] =	ssyncset.done $0x0  }
0xa8: {  	[sflag:s7] =	ssyncadd.s32 $0xFFFE6000  }
0xa9: {  	_ =	sfence.sel $0x180000  }
0xaa: {  	[bflag:$0x0] =	sbarrier.arrive $0xFFFF  }
0xab: {  	_ =	strace $0x90000047  }
0xac: {  	s0 =	stileid.u32;
	[bflag:$0x2] =	sbarrier.arrive $0xFFFF  }
0xad: {  	p0 =	sne.s32 s0, $0x0;
	s0 =	rddreg [dreg:$0x1]  }
0xae: {  	s0 =	sadd.s32 @!p0 $0x100000, s0  }
0xaf: {  	[sflag:s0] =	ssyncadd.tile.s32 @!p0 $0x1;
	_ =	shalt  }
.Lfunc_end2:
_tile_overlayer_lowered:
.L_overlay_start_2:
0xb0: {  	(tag) =	ssettag $0x2  }
0xb1: {  	s0 =	rddreg [dreg:$0x0];
	s2 =	stileid.u32  }
0xb2: {  	s1 =	rddreg [dreg:$0x1];
	p0 =	sne.s32 s2, $0x0  }
0xb3: {  	s3 =	rddreg [dreg:$0x2];
	[bflag:$0x3] =	sbarrier.arrive $0xFFFF;
	s2 =	simm.s32 @!p0 $0x1C02  }
0xb4: {  	[timem:s3], [sflag:s2] =	dma.local @!p0 [hbm:s0], s1  }
0xb5: {  	s0 =	simm.s32 @!p0 $0x2  }
0xb6: {  	_ =	swait.ge @!p0 [sflag:s0], s1  }
0xb7: {  	s1 =	ssub.s32 @!p0 $0x0, s1;
	[sflag:s0] =	ssyncset.done @!p0 $0x0  }
0xb8: {  	[sflag:s0] =	ssyncadd.s32 @!p0 s1  }
0xb9: {  	[bflag:$0x3] =	sbarrier.arrive $0xFFFF  }
0xba: {  	_ =	shalt  }

</sc_bundles>
